<compile_context>
chip_gen: v7x
topology: tpu7x:2x2x1
jax: 0.10.2.dev20260603
libtpu: 0.0.44.dev20260713+nightly
codegen_flags: <defaults>
</compile_context>

<pallas_src>
import functools

import jax
import jax.numpy as jnp
from jax import lax
from jax.experimental import pallas as pl
from jax.experimental.pallas import tpu as pltpu
from jax.experimental.pallas import tpu_sc as plsc

M_ROWS = 100000
B_ROWS = 16384
U = 128
F = 64

NC = 2
NS = 16
NW = NC * NS
RANGE = 3200
NCHUNK = B_ROWS // 16
WCAP = RANGE
TAIL = M_ROWS - 31 * RANGE
WTBL = 4096

BLK = 1024


def _tc_body(feats_ref, wz_ref, wh_ref, bz_ref, bh_ref, wo_ref, bob_ref,
             h_ref, o_ref):
    f = feats_ref[...]
    xz = jnp.dot(f, wz_ref[...], preferred_element_type=jnp.float32) + bz_ref[...]
    xh = jnp.dot(f, wh_ref[...], preferred_element_type=jnp.float32) + bh_ref[...]
    z = jax.nn.sigmoid(xz)
    h = (1.0 - z) * jnp.tanh(xh)
    h_ref[...] = h
    o = jnp.sum(h * wo_ref[...], axis=1, keepdims=True) + bob_ref[:, 0:1]
    o_ref[...] = jax.nn.sigmoid(o)


_tc_gru = pl.pallas_call(
    _tc_body,
    grid=(B_ROWS // BLK,),
    in_specs=[
        pl.BlockSpec((BLK, F), lambda i: (i, 0)),
        pl.BlockSpec((F, U), lambda i: (0, 0)),
        pl.BlockSpec((F, U), lambda i: (0, 0)),
        pl.BlockSpec((1, U), lambda i: (0, 0)),
        pl.BlockSpec((1, U), lambda i: (0, 0)),
        pl.BlockSpec((1, U), lambda i: (0, 0)),
        pl.BlockSpec((1, U), lambda i: (0, 0)),
    ],
    out_specs=[
        pl.BlockSpec((BLK, U), lambda i: (i, 0)),
        pl.BlockSpec((BLK, 1), lambda i: (i, 0)),
    ],
    out_shape=[
        jax.ShapeDtypeStruct((B_ROWS, U), jnp.float32),
        jax.ShapeDtypeStruct((B_ROWS, 1), jnp.float32),
    ],
)


@functools.partial(
    pl.kernel,
    out_type=jax.ShapeDtypeStruct((M_ROWS, U), jnp.float32),
    mesh=plsc.VectorSubcoreMesh(core_axis_name="c", subcore_axis_name="s"),
    compiler_params=pltpu.CompilerParams(needs_layout_passes=False),
    scratch_types=[
        pltpu.VMEM((B_ROWS,), jnp.int32),
        pltpu.VMEM((WTBL,), jnp.int32),
        pltpu.VMEM((128, U), jnp.float32),
        pltpu.VMEM((128, U), jnp.float32),
        pltpu.VMEM((WCAP + 32,), jnp.int32),
        pltpu.VMEM((WCAP + 32,), jnp.int32),
        pltpu.VMEM((WCAP // 128, 128), jnp.int32),
        pltpu.VMEM((WCAP // 128, 128), jnp.int32),
        pltpu.SemaphoreType.DMA,
        pltpu.SemaphoreType.DMA,
        pltpu.SemaphoreType.DMA,
    ],
)
def _sc_scatter(ids_hbm, h_hbm, out_hbm, ids_v, winner_v, zbuf, gbuf,
                wrow_flat, widx_flat, wrow2d, widx2d, zsem, gsem, ssem):
    cid = lax.axis_index("c")
    sid = lax.axis_index("s")
    wid = sid * NC + cid
    id_base = wid * RANGE
    rsize = jnp.where(wid == NW - 1, TAIL, RANGE)

    zero16f = jnp.zeros((16,), jnp.float32)
    iota16 = lax.iota(jnp.int32, 16)

    def _zb(t, carry):
        r = t // 8
        c = t - r * 8
        zbuf[r, pl.ds(c * 16, 16)] = zero16f
        return carry

    lax.fori_loop(0, 128 * 8, _zb, 0, unroll=8)

    for k in range(4):
        p = (wid + k) % 4
        pltpu.async_copy(ids_hbm.at[pl.ds(p * (B_ROWS // 4), B_ROWS // 4)],
                         ids_v.at[pl.ds(p * (B_ROWS // 4), B_ROWS // 4)],
                         gsem)
    for k in range(4):
        pltpu.make_async_copy(
            ids_hbm.at[pl.ds(0, B_ROWS // 4)],
            ids_v.at[pl.ds(0, B_ROWS // 4)], gsem).wait()

    nfull = rsize // 128

    def _zf(k, carry):
        pltpu.async_copy(
            zbuf, out_hbm.at[pl.ds(id_base + k * 128, 128), :], zsem)
        return carry

    lax.fori_loop(0, nfull, _zf, 0)

    @pl.when(wid == NW - 1)
    def _zf_tail():
        pltpu.async_copy(
            zbuf.at[pl.ds(0, TAIL % 128), :],
            out_hbm.at[pl.ds(31 * RANGE + (TAIL // 128) * 128, TAIL % 128), :],
            zsem)

    rs_u = plsc.bitcast(jnp.full((16,), rsize, dtype=jnp.int32), jnp.uint32)
    neg1 = jnp.full((16,), -1, dtype=jnp.int32)

    def _wi(i, carry):
        winner_v[pl.ds(i * 16, 16)] = neg1
        return carry

    lax.fori_loop(0, WTBL // 16, _wi, 0, unroll=4)

    def _w1(ch, bad):
        idv = ids_v[pl.ds(ch * 16, 16)]
        loc = idv - id_base
        inr = plsc.bitcast(loc, jnp.uint32) < rs_u
        locc = loc & (WTBL - 1)
        cand = ch * 16 + iota16
        plsc.store_scatter(winner_v, [locc], cand, mask=inr)
        rb = plsc.load_gather(winner_v, [locc])
        return bad + (inr & (rb < cand)).astype(jnp.int32)

    bad = lax.fori_loop(0, NCHUNK, _w1, jnp.zeros((16,), jnp.int32),
                        unroll=8)

    def _fix(carry):
        def _fb(ch, nf):
            idv = ids_v[pl.ds(ch * 16, 16)]
            loc = idv - id_base
            inr = plsc.bitcast(loc, jnp.uint32) < rs_u
            locc = loc & (WTBL - 1)
            cand = ch * 16 + iota16
            rb = plsc.load_gather(winner_v, [locc])
            need = inr & (rb < cand)
            plsc.store_scatter(winner_v, [locc], cand, mask=need)
            return nf + need.astype(jnp.int32)

        nf = lax.fori_loop(0, NCHUNK, _fb, jnp.zeros((16,), jnp.int32),
                           unroll=2)
        return jnp.sum(nf)

    nbad = jnp.sum(bad)
    nbad = lax.while_loop(lambda n: n > 0, _fix, nbad)

    def _cp(t, off):
        ent = winner_v[pl.ds(t * 16, 16)]
        keep = ent >= 0
        tid = id_base + t * 16 + iota16
        plsc.store_compressed(wrow_flat.at[pl.ds(off, 16)], ent, mask=keep)
        plsc.store_compressed(widx_flat.at[pl.ds(off, 16)], tid, mask=keep)
        cnt = plsc.all_reduce_population_count(keep)
        return off + cnt[0]

    w_cnt = lax.fori_loop(0, WTBL // 16, _cp, 0, unroll=2)

    zidx = jnp.zeros((16,), jnp.int32)
    e0r = plsc.load_gather(wrow_flat, [zidx])
    e0i = plsc.load_gather(widx_flat, [zidx])
    wp = ((w_cnt + 127) // 128) * 128

    def _pad(j, carry):
        pos = j * 16 + iota16
        fill = pos >= w_cnt
        vr = wrow_flat[pl.ds(j * 16, 16)]
        wrow_flat[pl.ds(j * 16, 16)] = jnp.where(fill, e0r, vr)
        vi = widx_flat[pl.ds(j * 16, 16)]
        widx_flat[pl.ds(j * 16, 16)] = jnp.where(fill, e0i, vi)
        return carry

    lax.fori_loop(w_cnt // 16, wp // 16, _pad, 0)

    def _rp(j, carry):
        r = j // 8
        c = j - r * 8
        wrow2d[r, pl.ds(c * 16, 16)] = wrow_flat[pl.ds(j * 16, 16)]
        widx2d[r, pl.ds(c * 16, 16)] = widx_flat[pl.ds(j * 16, 16)]
        return carry

    lax.fori_loop(0, wp // 16, _rp, 0)

    def _zw(k, carry):
        pltpu.make_async_copy(
            out_hbm.at[pl.ds(id_base, 128), :], zbuf, zsem).wait()
        return carry

    lax.fori_loop(0, nfull, _zw, 0)

    @pl.when(wid == NW - 1)
    def _zw_tail():
        pltpu.make_async_copy(
            out_hbm.at[pl.ds(id_base, TAIL % 128), :],
            zbuf.at[pl.ds(0, TAIL % 128), :], zsem).wait()

    n_q = wp // 128
    pltpu.async_copy(h_hbm.at[wrow2d.at[0]], zbuf, gsem)

    def _stage(cur, oth, q):
        pltpu.make_async_copy(h_hbm.at[wrow2d.at[q]], cur, gsem).wait()

        @pl.when(q + 1 < n_q)
        def _pref():
            pltpu.async_copy(h_hbm.at[wrow2d.at[q + 1]], oth, gsem)

        pltpu.async_copy(cur, out_hbm.at[widx2d.at[q]], ssem).wait()

    def _sc(q, carry):
        @pl.when(q % 2 == 0)
        def _even():
            _stage(zbuf, gbuf, q)

        @pl.when(q % 2 == 1)
        def _odd():
            _stage(gbuf, zbuf, q)

        return carry

    lax.fori_loop(0, n_q, _sc, 0)


def kernel(ids, feats, state, Wx, Wh, b, Wo, bo):
    Wxz = Wx[:, :U]
    Wxh = Wx[:, 2 * U:]
    bz = b[:U].reshape(1, U)
    bh = b[2 * U:].reshape(1, U)
    wo = Wo.reshape(1, U)
    bob = jnp.broadcast_to(bo.reshape(1, 1), (1, U))
    h_new, out = _tc_gru(feats, Wxz, Wxh, bz, bh, wo, bob)
    new_state = _sc_scatter(ids, h_new)
    return out, new_state

# --- scband reference (transcript-rebuilt; emitter-appended) ---
"""Pipeline reference for scband-feedzai-production-6777458393685 (READ-ONLY COPY).

The authoritative reference and input builder live on the scoring server;
editing this copy changes nothing except your own understanding.
"""

import jax, jax.numpy as jnp
import numpy as np

UNITS = 128
M = 100000   # number of distinct card ids (per-entity state memory rows)
B = 16384
F = 64       # non-id transaction feature columns


def setup_inputs(seed: int = 0) -> dict:
    key = jax.random.key(seed)
    k1, k2, k3, k4, k5 = jax.random.split(key, 5)
    ids = jax.random.randint(k1, (B,), 0, M, dtype=jnp.int32)
    feats = jax.random.normal(k2, (B, F), dtype=jnp.float32)
    # per-card GRU hidden-state memory (the SharedState weight)
    state = jnp.zeros((M, UNITS), dtype=jnp.float32)
    # GRU cell parameters (Keras layout: gates [z, r, h] concatenated)
    Wx = jax.random.normal(k3, (F, 3 * UNITS), dtype=jnp.float32) * (1.0 / np.sqrt(F))
    Wh = jax.random.normal(k4, (UNITS, 3 * UNITS), dtype=jnp.float32) * (1.0 / np.sqrt(UNITS))
    b = jnp.zeros((3 * UNITS,), dtype=jnp.float32)
    # output head Dense(1, sigmoid)
    Wo = jax.random.normal(k5, (UNITS, 1), dtype=jnp.float32) * (1.0 / np.sqrt(UNITS))
    bo = jnp.zeros((1,), dtype=jnp.float32)
    return {"ids": ids, "feats": feats, "state": state, "Wx": Wx, "Wh": Wh, "b": b, "Wo": Wo, "bo": bo}


def reference(ids, feats, state, Wx, Wh, b, Wo, bo):
    # SharedState: gather per-card hidden state by id column
    h_prev = jnp.take(state, ids, axis=0)  # [B, UNITS]
    # one GRU cell step (Keras GRU math, reset_after=False)
    xg = feats @ Wx + b                    # [B, 3U]
    hg = h_prev @ Wh                       # [B, 3U]
    xz, xr, xh = jnp.split(xg, 3, axis=-1)
    hz, hr, hh_lin = jnp.split(hg, 3, axis=-1)
    z = jax.nn.sigmoid(xz + hz)
    r = jax.nn.sigmoid(xr + hr)
    hh = jnp.tanh(xh + r * hh_lin)
    h_new = z * h_prev + (1.0 - z) * hh    # [B, UNITS]
    # scatter updated states back into the shared per-card memory
    new_state = state.at[ids].set(h_new)   # [M, UNITS]
    # fraud-score head
    out = jax.nn.sigmoid(h_new @ Wo + bo)  # [B, 1]
    return out, new_state

if __name__ == "__main__":
    import jax
    _d = setup_inputs()
    print(jax.jit(kernel)(*tuple(_d.values())))

</pallas_src>

<mosaic_0001>
#map = affine_map<(d0, d1) -> (0)>
#map1 = affine_map<(d0, d1) -> (0, 0)>
module attributes {stable_mosaic.version = 14 : i64} {
  func.func @_sc_scatter(%arg0: i32, %arg1: i32, %arg2: memref<16384xi32, #tpu.memory_space<hbm>>, %arg3: memref<16384x128xf32, #tpu.memory_space<hbm>>, %arg4: memref<100000x128xf32, #tpu.memory_space<hbm>>, %arg5: memref<16384xi32, #tpu.memory_space<vmem>>, %arg6: memref<4096xi32, #tpu.memory_space<vmem>>, %arg7: memref<128x128xf32, #tpu.memory_space<vmem>>, %arg8: memref<128x128xf32, #tpu.memory_space<vmem>>, %arg9: memref<3232xi32, #tpu.memory_space<vmem>>, %arg10: memref<3232xi32, #tpu.memory_space<vmem>>, %arg11: memref<25x128xi32, #tpu.memory_space<vmem>>, %arg12: memref<25x128xi32, #tpu.memory_space<vmem>>, %arg13: memref<!tpu.dma_semaphore, #tpu.memory_space<semaphore_mem>>, %arg14: memref<!tpu.dma_semaphore, #tpu.memory_space<semaphore_mem>>, %arg15: memref<!tpu.dma_semaphore, #tpu.memory_space<semaphore_mem>>) attributes {dimension_semantics = [#tpu.dimension_semantics<core_parallel>, #tpu.dimension_semantics<subcore_parallel>], iteration_bounds = array<i64: 2, 16>, scalar_prefetch = 0 : i64, scratch_operands = 11 : i64, tpu.core_type = #tpu.core_type<sc_vector_subcore>, window_params = [{transform_indices = #map}, {transform_indices = #map1}, {transform_indices = #map1}]} {
    %mul3A = arith.constant 2 : i32
    %mul3A_0 = arith.muli %arg1, %mul3A : i32
    %add3A = arith.addi %mul3A_0, %arg0 : i32
    %mul3A_1 = arith.constant 3200 : i32
    %mul3A_2 = arith.muli %add3A, %mul3A_1 : i32
    %eq3A = arith.constant 31 : i32
    %eq3A_3 = arith.cmpi eq, %add3A, %eq3A : i32
    %jit3A = arith.constant 800 : i32
    %jit3A_4 = arith.constant 3200 : i32
    %select_n3A = arith.select %eq3A_3, %jit3A, %jit3A_4 : i32
    %broadcast_in_dim3A = arith.constant 0.000000e+00 : f32
    %broadcast_in_dim3A_5 = vector.broadcast %broadcast_in_dim3A : f32 to vector<16xf32>
    %iota3A = tpu.iota {dimensions = array<i32: 0>} : vector<16xi32>
    %scan3A = arith.constant 0 : i32
    %scan3A_6 = arith.constant 0 : i32
    %scan3A_7 = arith.constant 1024 : i32
    %scan3A_8 = arith.addi %scan3A_6, %scan3A_7 : i32
    %scan3A_9 = arith.constant 8 : i32
    scf.for %scan3A_380 = %scan3A_6 to %scan3A_8 step %scan3A_9  : i32 {
      %jit3A_381 = arith.constant 8 : i32
      %div3A_382 = arith.divsi %scan3A_380, %jit3A_381 : i32
      %sign3A_383 = arith.constant 0 : i32
      %sign3A_384 = arith.cmpi sgt, %scan3A_380, %sign3A_383 : i32
      %sign3A_385 = arith.extui %sign3A_384 : i1 to i32
      %sign3A_386 = arith.constant 0 : i32
      %sign3A_387 = arith.cmpi slt, %scan3A_380, %sign3A_386 : i32
      %sign3A_388 = arith.extui %sign3A_387 : i1 to i32
      %sign3A_389 = arith.subi %sign3A_385, %sign3A_388 : i32
      %sign3A_390 = arith.constant 0 : i32
      %sign3A_391 = arith.cmpi sgt, %jit3A_381, %sign3A_390 : i32
      %sign3A_392 = arith.extui %sign3A_391 : i1 to i32
      %sign3A_393 = arith.constant 0 : i32
      %sign3A_394 = arith.cmpi slt, %jit3A_381, %sign3A_393 : i32
      %sign3A_395 = arith.extui %sign3A_394 : i1 to i32
      %sign3A_396 = arith.subi %sign3A_392, %sign3A_395 : i32
      %ne3A_397 = arith.cmpi ne, %sign3A_389, %sign3A_396 : i32
      %rem3A_398 = arith.remsi %scan3A_380, %jit3A_381 : i32
      %ne3A_399 = arith.constant 0 : i32
      %ne3A_400 = arith.cmpi ne, %rem3A_398, %ne3A_399 : i32
      %and3A_401 = arith.andi %ne3A_397, %ne3A_400 : i1
      %sub3A_402 = arith.constant 1 : i32
      %sub3A_403 = arith.subi %div3A_382, %sub3A_402 : i32
      %select_n3A_404 = arith.select %and3A_401, %sub3A_403, %div3A_382 : i32
      %mul3A_405 = arith.constant 8 : i32
      %mul3A_406 = arith.muli %select_n3A_404, %mul3A_405 : i32
      %sub3A_407 = arith.subi %scan3A_380, %mul3A_406 : i32
      %mul3A_408 = arith.constant 16 : i32
      %mul3A_409 = arith.muli %sub3A_407, %mul3A_408 : i32
      %swap3A = arith.index_cast %select_n3A_404 : i32 to index
      %swap3A_410 = arith.index_cast %mul3A_409 : i32 to index
      %swap3A_411 = tpu.vector_load %arg7[%swap3A, %swap3A_410] {strides = array<i32>} : memref<128x128xf32, #tpu.memory_space<vmem>>, vector<16xf32>,
      tpu.vector_store %arg7[%swap3A, %swap3A_410], %broadcast_in_dim3A_5 {strides = array<i32>} : memref<128x128xf32, #tpu.memory_space<vmem>>, vector<16xf32>,
      %scan3A_412 = arith.constant 1 : i32
      %scan3A_413 = arith.addi %scan3A_380, %scan3A_412 : i32
      %jit3A_414 = arith.constant 8 : i32
      %div3A_415 = arith.divsi %scan3A_413, %jit3A_414 : i32
      %sign3A_416 = arith.constant 0 : i32
      %sign3A_417 = arith.cmpi sgt, %scan3A_413, %sign3A_416 : i32
      %sign3A_418 = arith.extui %sign3A_417 : i1 to i32
      %sign3A_419 = arith.constant 0 : i32
      %sign3A_420 = arith.cmpi slt, %scan3A_413, %sign3A_419 : i32
      %sign3A_421 = arith.extui %sign3A_420 : i1 to i32
      %sign3A_422 = arith.subi %sign3A_418, %sign3A_421 : i32
      %sign3A_423 = arith.constant 0 : i32
      %sign3A_424 = arith.cmpi sgt, %jit3A_414, %sign3A_423 : i32
      %sign3A_425 = arith.extui %sign3A_424 : i1 to i32
      %sign3A_426 = arith.constant 0 : i32
      %sign3A_427 = arith.cmpi slt, %jit3A_414, %sign3A_426 : i32
      %sign3A_428 = arith.extui %sign3A_427 : i1 to i32
      %sign3A_429 = arith.subi %sign3A_425, %sign3A_428 : i32
      %ne3A_430 = arith.cmpi ne, %sign3A_422, %sign3A_429 : i32
      %rem3A_431 = arith.remsi %scan3A_413, %jit3A_414 : i32
      %ne3A_432 = arith.constant 0 : i32
      %ne3A_433 = arith.cmpi ne, %rem3A_431, %ne3A_432 : i32
      %and3A_434 = arith.andi %ne3A_430, %ne3A_433 : i1
      %sub3A_435 = arith.constant 1 : i32
      %sub3A_436 = arith.subi %div3A_415, %sub3A_435 : i32
      %select_n3A_437 = arith.select %and3A_434, %sub3A_436, %div3A_415 : i32
      %mul3A_438 = arith.constant 8 : i32
      %mul3A_439 = arith.muli %select_n3A_437, %mul3A_438 : i32
      %sub3A_440 = arith.subi %scan3A_413, %mul3A_439 : i32
      %mul3A_441 = arith.constant 16 : i32
      %mul3A_442 = arith.muli %sub3A_440, %mul3A_441 : i32
      %swap3A_443 = arith.index_cast %select_n3A_437 : i32 to index
      %swap3A_444 = arith.index_cast %mul3A_442 : i32 to index
      %swap3A_445 = tpu.vector_load %arg7[%swap3A_443, %swap3A_444] {strides = array<i32>} : memref<128x128xf32, #tpu.memory_space<vmem>>, vector<16xf32>,
      tpu.vector_store %arg7[%swap3A_443, %swap3A_444], %broadcast_in_dim3A_5 {strides = array<i32>} : memref<128x128xf32, #tpu.memory_space<vmem>>, vector<16xf32>,
      %scan3A_446 = arith.constant 2 : i32
      %scan3A_447 = arith.addi %scan3A_380, %scan3A_446 : i32
      %jit3A_448 = arith.constant 8 : i32
      %div3A_449 = arith.divsi %scan3A_447, %jit3A_448 : i32
      %sign3A_450 = arith.constant 0 : i32
      %sign3A_451 = arith.cmpi sgt, %scan3A_447, %sign3A_450 : i32
      %sign3A_452 = arith.extui %sign3A_451 : i1 to i32
      %sign3A_453 = arith.constant 0 : i32
      %sign3A_454 = arith.cmpi slt, %scan3A_447, %sign3A_453 : i32
      %sign3A_455 = arith.extui %sign3A_454 : i1 to i32
      %sign3A_456 = arith.subi %sign3A_452, %sign3A_455 : i32
      %sign3A_457 = arith.constant 0 : i32
      %sign3A_458 = arith.cmpi sgt, %jit3A_448, %sign3A_457 : i32
      %sign3A_459 = arith.extui %sign3A_458 : i1 to i32
      %sign3A_460 = arith.constant 0 : i32
      %sign3A_461 = arith.cmpi slt, %jit3A_448, %sign3A_460 : i32
      %sign3A_462 = arith.extui %sign3A_461 : i1 to i32
      %sign3A_463 = arith.subi %sign3A_459, %sign3A_462 : i32
      %ne3A_464 = arith.cmpi ne, %sign3A_456, %sign3A_463 : i32
      %rem3A_465 = arith.remsi %scan3A_447, %jit3A_448 : i32
      %ne3A_466 = arith.constant 0 : i32
      %ne3A_467 = arith.cmpi ne, %rem3A_465, %ne3A_466 : i32
      %and3A_468 = arith.andi %ne3A_464, %ne3A_467 : i1
      %sub3A_469 = arith.constant 1 : i32
      %sub3A_470 = arith.subi %div3A_449, %sub3A_469 : i32
      %select_n3A_471 = arith.select %and3A_468, %sub3A_470, %div3A_449 : i32
      %mul3A_472 = arith.constant 8 : i32
      %mul3A_473 = arith.muli %select_n3A_471, %mul3A_472 : i32
      %sub3A_474 = arith.subi %scan3A_447, %mul3A_473 : i32
      %mul3A_475 = arith.constant 16 : i32
      %mul3A_476 = arith.muli %sub3A_474, %mul3A_475 : i32
      %swap3A_477 = arith.index_cast %select_n3A_471 : i32 to index
      %swap3A_478 = arith.index_cast %mul3A_476 : i32 to index
      %swap3A_479 = tpu.vector_load %arg7[%swap3A_477, %swap3A_478] {strides = array<i32>} : memref<128x128xf32, #tpu.memory_space<vmem>>, vector<16xf32>,
      tpu.vector_store %arg7[%swap3A_477, %swap3A_478], %broadcast_in_dim3A_5 {strides = array<i32>} : memref<128x128xf32, #tpu.memory_space<vmem>>, vector<16xf32>,
      %scan3A_480 = arith.constant 3 : i32
      %scan3A_481 = arith.addi %scan3A_380, %scan3A_480 : i32
      %jit3A_482 = arith.constant 8 : i32
      %div3A_483 = arith.divsi %scan3A_481, %jit3A_482 : i32
      %sign3A_484 = arith.constant 0 : i32
      %sign3A_485 = arith.cmpi sgt, %scan3A_481, %sign3A_484 : i32
      %sign3A_486 = arith.extui %sign3A_485 : i1 to i32
      %sign3A_487 = arith.constant 0 : i32
      %sign3A_488 = arith.cmpi slt, %scan3A_481, %sign3A_487 : i32
      %sign3A_489 = arith.extui %sign3A_488 : i1 to i32
      %sign3A_490 = arith.subi %sign3A_486, %sign3A_489 : i32
      %sign3A_491 = arith.constant 0 : i32
      %sign3A_492 = arith.cmpi sgt, %jit3A_482, %sign3A_491 : i32
      %sign3A_493 = arith.extui %sign3A_492 : i1 to i32
      %sign3A_494 = arith.constant 0 : i32
      %sign3A_495 = arith.cmpi slt, %jit3A_482, %sign3A_494 : i32
      %sign3A_496 = arith.extui %sign3A_495 : i1 to i32
      %sign3A_497 = arith.subi %sign3A_493, %sign3A_496 : i32
      %ne3A_498 = arith.cmpi ne, %sign3A_490, %sign3A_497 : i32
      %rem3A_499 = arith.remsi %scan3A_481, %jit3A_482 : i32
      %ne3A_500 = arith.constant 0 : i32
      %ne3A_501 = arith.cmpi ne, %rem3A_499, %ne3A_500 : i32
      %and3A_502 = arith.andi %ne3A_498, %ne3A_501 : i1
      %sub3A_503 = arith.constant 1 : i32
      %sub3A_504 = arith.subi %div3A_483, %sub3A_503 : i32
      %select_n3A_505 = arith.select %and3A_502, %sub3A_504, %div3A_483 : i32
      %mul3A_506 = arith.constant 8 : i32
      %mul3A_507 = arith.muli %select_n3A_505, %mul3A_506 : i32
      %sub3A_508 = arith.subi %scan3A_481, %mul3A_507 : i32
      %mul3A_509 = arith.constant 16 : i32
      %mul3A_510 = arith.muli %sub3A_508, %mul3A_509 : i32
      %swap3A_511 = arith.index_cast %select_n3A_505 : i32 to index
      %swap3A_512 = arith.index_cast %mul3A_510 : i32 to index
      %swap3A_513 = tpu.vector_load %arg7[%swap3A_511, %swap3A_512] {strides = array<i32>} : memref<128x128xf32, #tpu.memory_space<vmem>>, vector<16xf32>,
      tpu.vector_store %arg7[%swap3A_511, %swap3A_512], %broadcast_in_dim3A_5 {strides = array<i32>} : memref<128x128xf32, #tpu.memory_space<vmem>>, vector<16xf32>,
      %scan3A_514 = arith.constant 4 : i32
      %scan3A_515 = arith.addi %scan3A_380, %scan3A_514 : i32
      %jit3A_516 = arith.constant 8 : i32
      %div3A_517 = arith.divsi %scan3A_515, %jit3A_516 : i32
      %sign3A_518 = arith.constant 0 : i32
      %sign3A_519 = arith.cmpi sgt, %scan3A_515, %sign3A_518 : i32
      %sign3A_520 = arith.extui %sign3A_519 : i1 to i32
      %sign3A_521 = arith.constant 0 : i32
      %sign3A_522 = arith.cmpi slt, %scan3A_515, %sign3A_521 : i32
      %sign3A_523 = arith.extui %sign3A_522 : i1 to i32
      %sign3A_524 = arith.subi %sign3A_520, %sign3A_523 : i32
      %sign3A_525 = arith.constant 0 : i32
      %sign3A_526 = arith.cmpi sgt, %jit3A_516, %sign3A_525 : i32
      %sign3A_527 = arith.extui %sign3A_526 : i1 to i32
      %sign3A_528 = arith.constant 0 : i32
      %sign3A_529 = arith.cmpi slt, %jit3A_516, %sign3A_528 : i32
      %sign3A_530 = arith.extui %sign3A_529 : i1 to i32
      %sign3A_531 = arith.subi %sign3A_527, %sign3A_530 : i32
      %ne3A_532 = arith.cmpi ne, %sign3A_524, %sign3A_531 : i32
      %rem3A_533 = arith.remsi %scan3A_515, %jit3A_516 : i32
      %ne3A_534 = arith.constant 0 : i32
      %ne3A_535 = arith.cmpi ne, %rem3A_533, %ne3A_534 : i32
      %and3A_536 = arith.andi %ne3A_532, %ne3A_535 : i1
      %sub3A_537 = arith.constant 1 : i32
      %sub3A_538 = arith.subi %div3A_517, %sub3A_537 : i32
      %select_n3A_539 = arith.select %and3A_536, %sub3A_538, %div3A_517 : i32
      %mul3A_540 = arith.constant 8 : i32
      %mul3A_541 = arith.muli %select_n3A_539, %mul3A_540 : i32
      %sub3A_542 = arith.subi %scan3A_515, %mul3A_541 : i32
      %mul3A_543 = arith.constant 16 : i32
      %mul3A_544 = arith.muli %sub3A_542, %mul3A_543 : i32
      %swap3A_545 = arith.index_cast %select_n3A_539 : i32 to index
      %swap3A_546 = arith.index_cast %mul3A_544 : i32 to index
      %swap3A_547 = tpu.vector_load %arg7[%swap3A_545, %swap3A_546] {strides = array<i32>} : memref<128x128xf32, #tpu.memory_space<vmem>>, vector<16xf32>,
      tpu.vector_store %arg7[%swap3A_545, %swap3A_546], %broadcast_in_dim3A_5 {strides = array<i32>} : memref<128x128xf32, #tpu.memory_space<vmem>>, vector<16xf32>,
      %scan3A_548 = arith.constant 5 : i32
      %scan3A_549 = arith.addi %scan3A_380, %scan3A_548 : i32
      %jit3A_550 = arith.constant 8 : i32
      %div3A_551 = arith.divsi %scan3A_549, %jit3A_550 : i32
      %sign3A_552 = arith.constant 0 : i32
      %sign3A_553 = arith.cmpi sgt, %scan3A_549, %sign3A_552 : i32
      %sign3A_554 = arith.extui %sign3A_553 : i1 to i32
      %sign3A_555 = arith.constant 0 : i32
      %sign3A_556 = arith.cmpi slt, %scan3A_549, %sign3A_555 : i32
      %sign3A_557 = arith.extui %sign3A_556 : i1 to i32
      %sign3A_558 = arith.subi %sign3A_554, %sign3A_557 : i32
      %sign3A_559 = arith.constant 0 : i32
      %sign3A_560 = arith.cmpi sgt, %jit3A_550, %sign3A_559 : i32
      %sign3A_561 = arith.extui %sign3A_560 : i1 to i32
      %sign3A_562 = arith.constant 0 : i32
      %sign3A_563 = arith.cmpi slt, %jit3A_550, %sign3A_562 : i32
      %sign3A_564 = arith.extui %sign3A_563 : i1 to i32
      %sign3A_565 = arith.subi %sign3A_561, %sign3A_564 : i32
      %ne3A_566 = arith.cmpi ne, %sign3A_558, %sign3A_565 : i32
      %rem3A_567 = arith.remsi %scan3A_549, %jit3A_550 : i32
      %ne3A_568 = arith.constant 0 : i32
      %ne3A_569 = arith.cmpi ne, %rem3A_567, %ne3A_568 : i32
      %and3A_570 = arith.andi %ne3A_566, %ne3A_569 : i1
      %sub3A_571 = arith.constant 1 : i32
      %sub3A_572 = arith.subi %div3A_551, %sub3A_571 : i32
      %select_n3A_573 = arith.select %and3A_570, %sub3A_572, %div3A_551 : i32
      %mul3A_574 = arith.constant 8 : i32
      %mul3A_575 = arith.muli %select_n3A_573, %mul3A_574 : i32
      %sub3A_576 = arith.subi %scan3A_549, %mul3A_575 : i32
      %mul3A_577 = arith.constant 16 : i32
      %mul3A_578 = arith.muli %sub3A_576, %mul3A_577 : i32
      %swap3A_579 = arith.index_cast %select_n3A_573 : i32 to index
      %swap3A_580 = arith.index_cast %mul3A_578 : i32 to index
      %swap3A_581 = tpu.vector_load %arg7[%swap3A_579, %swap3A_580] {strides = array<i32>} : memref<128x128xf32, #tpu.memory_space<vmem>>, vector<16xf32>,
      tpu.vector_store %arg7[%swap3A_579, %swap3A_580], %broadcast_in_dim3A_5 {strides = array<i32>} : memref<128x128xf32, #tpu.memory_space<vmem>>, vector<16xf32>,
      %scan3A_582 = arith.constant 6 : i32
      %scan3A_583 = arith.addi %scan3A_380, %scan3A_582 : i32
      %jit3A_584 = arith.constant 8 : i32
      %div3A_585 = arith.divsi %scan3A_583, %jit3A_584 : i32
      %sign3A_586 = arith.constant 0 : i32
      %sign3A_587 = arith.cmpi sgt, %scan3A_583, %sign3A_586 : i32
      %sign3A_588 = arith.extui %sign3A_587 : i1 to i32
      %sign3A_589 = arith.constant 0 : i32
      %sign3A_590 = arith.cmpi slt, %scan3A_583, %sign3A_589 : i32
      %sign3A_591 = arith.extui %sign3A_590 : i1 to i32
      %sign3A_592 = arith.subi %sign3A_588, %sign3A_591 : i32
      %sign3A_593 = arith.constant 0 : i32
      %sign3A_594 = arith.cmpi sgt, %jit3A_584, %sign3A_593 : i32
      %sign3A_595 = arith.extui %sign3A_594 : i1 to i32
      %sign3A_596 = arith.constant 0 : i32
      %sign3A_597 = arith.cmpi slt, %jit3A_584, %sign3A_596 : i32
      %sign3A_598 = arith.extui %sign3A_597 : i1 to i32
      %sign3A_599 = arith.subi %sign3A_595, %sign3A_598 : i32
      %ne3A_600 = arith.cmpi ne, %sign3A_592, %sign3A_599 : i32
      %rem3A_601 = arith.remsi %scan3A_583, %jit3A_584 : i32
      %ne3A_602 = arith.constant 0 : i32
      %ne3A_603 = arith.cmpi ne, %rem3A_601, %ne3A_602 : i32
      %and3A_604 = arith.andi %ne3A_600, %ne3A_603 : i1
      %sub3A_605 = arith.constant 1 : i32
      %sub3A_606 = arith.subi %div3A_585, %sub3A_605 : i32
      %select_n3A_607 = arith.select %and3A_604, %sub3A_606, %div3A_585 : i32
      %mul3A_608 = arith.constant 8 : i32
      %mul3A_609 = arith.muli %select_n3A_607, %mul3A_608 : i32
      %sub3A_610 = arith.subi %scan3A_583, %mul3A_609 : i32
      %mul3A_611 = arith.constant 16 : i32
      %mul3A_612 = arith.muli %sub3A_610, %mul3A_611 : i32
      %swap3A_613 = arith.index_cast %select_n3A_607 : i32 to index
      %swap3A_614 = arith.index_cast %mul3A_612 : i32 to index
      %swap3A_615 = tpu.vector_load %arg7[%swap3A_613, %swap3A_614] {strides = array<i32>} : memref<128x128xf32, #tpu.memory_space<vmem>>, vector<16xf32>,
      tpu.vector_store %arg7[%swap3A_613, %swap3A_614], %broadcast_in_dim3A_5 {strides = array<i32>} : memref<128x128xf32, #tpu.memory_space<vmem>>, vector<16xf32>,
      %scan3A_616 = arith.constant 7 : i32
      %scan3A_617 = arith.addi %scan3A_380, %scan3A_616 : i32
      %jit3A_618 = arith.constant 8 : i32
      %div3A_619 = arith.divsi %scan3A_617, %jit3A_618 : i32
      %sign3A_620 = arith.constant 0 : i32
      %sign3A_621 = arith.cmpi sgt, %scan3A_617, %sign3A_620 : i32
      %sign3A_622 = arith.extui %sign3A_621 : i1 to i32
      %sign3A_623 = arith.constant 0 : i32
      %sign3A_624 = arith.cmpi slt, %scan3A_617, %sign3A_623 : i32
      %sign3A_625 = arith.extui %sign3A_624 : i1 to i32
      %sign3A_626 = arith.subi %sign3A_622, %sign3A_625 : i32
      %sign3A_627 = arith.constant 0 : i32
      %sign3A_628 = arith.cmpi sgt, %jit3A_618, %sign3A_627 : i32
      %sign3A_629 = arith.extui %sign3A_628 : i1 to i32
      %sign3A_630 = arith.constant 0 : i32
      %sign3A_631 = arith.cmpi slt, %jit3A_618, %sign3A_630 : i32
      %sign3A_632 = arith.extui %sign3A_631 : i1 to i32
      %sign3A_633 = arith.subi %sign3A_629, %sign3A_632 : i32
      %ne3A_634 = arith.cmpi ne, %sign3A_626, %sign3A_633 : i32
      %rem3A_635 = arith.remsi %scan3A_617, %jit3A_618 : i32
      %ne3A_636 = arith.constant 0 : i32
      %ne3A_637 = arith.cmpi ne, %rem3A_635, %ne3A_636 : i32
      %and3A_638 = arith.andi %ne3A_634, %ne3A_637 : i1
      %sub3A_639 = arith.constant 1 : i32
      %sub3A_640 = arith.subi %div3A_619, %sub3A_639 : i32
      %select_n3A_641 = arith.select %and3A_638, %sub3A_640, %div3A_619 : i32
      %mul3A_642 = arith.constant 8 : i32
      %mul3A_643 = arith.muli %select_n3A_641, %mul3A_642 : i32
      %sub3A_644 = arith.subi %scan3A_617, %mul3A_643 : i32
      %mul3A_645 = arith.constant 16 : i32
      %mul3A_646 = arith.muli %sub3A_644, %mul3A_645 : i32
      %swap3A_647 = arith.index_cast %select_n3A_641 : i32 to index
      %swap3A_648 = arith.index_cast %mul3A_646 : i32 to index
      %swap3A_649 = tpu.vector_load %arg7[%swap3A_647, %swap3A_648] {strides = array<i32>} : memref<128x128xf32, #tpu.memory_space<vmem>>, vector<16xf32>,
      tpu.vector_store %arg7[%swap3A_647, %swap3A_648], %broadcast_in_dim3A_5 {strides = array<i32>} : memref<128x128xf32, #tpu.memory_space<vmem>>, vector<16xf32>,
    }
    %scan3A_10 = arith.constant 1024 : i32
    %add3A_11 = arith.constant 0 : i32
    %add3A_12 = arith.addi %add3A, %add3A_11 : i32
    %jit3A_13 = arith.constant 4 : i32
    %eq3A_14 = arith.constant 0 : i32
    %eq3A_15 = arith.cmpi eq, %jit3A_13, %eq3A_14 : i32
    %jit3A_16 = arith.constant 1 : i32
    %select_n3A_17 = arith.select %eq3A_15, %jit3A_16, %jit3A_13 : i32
    %rem3A = arith.remsi %add3A_12, %select_n3A_17 : i32
    %ne3A = arith.constant 0 : i32
    %ne3A_18 = arith.cmpi ne, %rem3A, %ne3A : i32
    %lt3A = arith.constant 0 : i32
    %lt3A_19 = arith.cmpi slt, %rem3A, %lt3A : i32
    %lt3A_20 = arith.constant 0 : i32
    %lt3A_21 = arith.cmpi slt, %select_n3A_17, %lt3A_20 : i32
    %ne3A_22 = arith.xori %lt3A_19, %lt3A_21 : i1
    %and3A = arith.andi %ne3A_22, %ne3A_18 : i1
    %add3A_23 = arith.addi %rem3A, %select_n3A_17 : i32
    %select_n3A_24 = arith.select %and3A, %add3A_23, %rem3A : i32
    %mul3A_25 = arith.constant 4096 : i32
    %mul3A_26 = arith.muli %select_n3A_24, %mul3A_25 : i32
    %mul3A_27 = arith.constant 4096 : i32
    %mul3A_28 = arith.muli %select_n3A_24, %mul3A_27 : i32
    %dma_start3A = tpu.memref_slice %arg5[%mul3A_28] : memref<16384xi32, #tpu.memory_space<vmem>> -> memref<4096xi32, #tpu.memory_space<vmem>>
    %dma_start3A_29 = tpu.memref_slice %arg2[%mul3A_26] : memref<16384xi32, #tpu.memory_space<hbm>> -> memref<4096xi32, #tpu.memory_space<hbm>>
    %dma_start3A_30 = tpu.memref_slice %arg5[%mul3A_28] : memref<16384xi32, #tpu.memory_space<vmem>> -> memref<4096xi32, #tpu.memory_space<vmem>>
    %dma_start3A_31 = tpu.memref_slice %arg2[%mul3A_26] : memref<16384xi32, #tpu.memory_space<hbm>> -> memref<4096xi32, #tpu.memory_space<hbm>>
    tpu.enqueue_dma source(%dma_start3A_31 : memref<4096xi32, #tpu.memory_space<hbm>>) target(%dma_start3A_30 : memref<4096xi32, #tpu.memory_space<vmem>>) target_semaphore(%arg14 : memref<!tpu.dma_semaphore, #tpu.memory_space<semaphore_mem>>)
    %add3A_32 = arith.constant 1 : i32
    %add3A_33 = arith.addi %add3A, %add3A_32 : i32
    %jit3A_34 = arith.constant 4 : i32
    %eq3A_35 = arith.constant 0 : i32
    %eq3A_36 = arith.cmpi eq, %jit3A_34, %eq3A_35 : i32
    %jit3A_37 = arith.constant 1 : i32
    %select_n3A_38 = arith.select %eq3A_36, %jit3A_37, %jit3A_34 : i32
    %rem3A_39 = arith.remsi %add3A_33, %select_n3A_38 : i32
    %ne3A_40 = arith.constant 0 : i32
    %ne3A_41 = arith.cmpi ne, %rem3A_39, %ne3A_40 : i32
    %lt3A_42 = arith.constant 0 : i32
    %lt3A_43 = arith.cmpi slt, %rem3A_39, %lt3A_42 : i32
    %lt3A_44 = arith.constant 0 : i32
    %lt3A_45 = arith.cmpi slt, %select_n3A_38, %lt3A_44 : i32
    %ne3A_46 = arith.xori %lt3A_43, %lt3A_45 : i1
    %and3A_47 = arith.andi %ne3A_46, %ne3A_41 : i1
    %add3A_48 = arith.addi %rem3A_39, %select_n3A_38 : i32
    %select_n3A_49 = arith.select %and3A_47, %add3A_48, %rem3A_39 : i32
    %mul3A_50 = arith.constant 4096 : i32
    %mul3A_51 = arith.muli %select_n3A_49, %mul3A_50 : i32
    %mul3A_52 = arith.constant 4096 : i32
    %mul3A_53 = arith.muli %select_n3A_49, %mul3A_52 : i32
    %dma_start3A_54 = tpu.memref_slice %arg5[%mul3A_53] : memref<16384xi32, #tpu.memory_space<vmem>> -> memref<4096xi32, #tpu.memory_space<vmem>>
    %dma_start3A_55 = tpu.memref_slice %arg2[%mul3A_51] : memref<16384xi32, #tpu.memory_space<hbm>> -> memref<4096xi32, #tpu.memory_space<hbm>>
    %dma_start3A_56 = tpu.memref_slice %arg5[%mul3A_53] : memref<16384xi32, #tpu.memory_space<vmem>> -> memref<4096xi32, #tpu.memory_space<vmem>>
    %dma_start3A_57 = tpu.memref_slice %arg2[%mul3A_51] : memref<16384xi32, #tpu.memory_space<hbm>> -> memref<4096xi32, #tpu.memory_space<hbm>>
    tpu.enqueue_dma source(%dma_start3A_57 : memref<4096xi32, #tpu.memory_space<hbm>>) target(%dma_start3A_56 : memref<4096xi32, #tpu.memory_space<vmem>>) target_semaphore(%arg14 : memref<!tpu.dma_semaphore, #tpu.memory_space<semaphore_mem>>)
    %add3A_58 = arith.constant 2 : i32
    %add3A_59 = arith.addi %add3A, %add3A_58 : i32
    %jit3A_60 = arith.constant 4 : i32
    %eq3A_61 = arith.constant 0 : i32
    %eq3A_62 = arith.cmpi eq, %jit3A_60, %eq3A_61 : i32
    %jit3A_63 = arith.constant 1 : i32
    %select_n3A_64 = arith.select %eq3A_62, %jit3A_63, %jit3A_60 : i32
    %rem3A_65 = arith.remsi %add3A_59, %select_n3A_64 : i32
    %ne3A_66 = arith.constant 0 : i32
    %ne3A_67 = arith.cmpi ne, %rem3A_65, %ne3A_66 : i32
    %lt3A_68 = arith.constant 0 : i32
    %lt3A_69 = arith.cmpi slt, %rem3A_65, %lt3A_68 : i32
    %lt3A_70 = arith.constant 0 : i32
    %lt3A_71 = arith.cmpi slt, %select_n3A_64, %lt3A_70 : i32
    %ne3A_72 = arith.xori %lt3A_69, %lt3A_71 : i1
    %and3A_73 = arith.andi %ne3A_72, %ne3A_67 : i1
    %add3A_74 = arith.addi %rem3A_65, %select_n3A_64 : i32
    %select_n3A_75 = arith.select %and3A_73, %add3A_74, %rem3A_65 : i32
    %mul3A_76 = arith.constant 4096 : i32
    %mul3A_77 = arith.muli %select_n3A_75, %mul3A_76 : i32
    %mul3A_78 = arith.constant 4096 : i32
    %mul3A_79 = arith.muli %select_n3A_75, %mul3A_78 : i32
    %dma_start3A_80 = tpu.memref_slice %arg5[%mul3A_79] : memref<16384xi32, #tpu.memory_space<vmem>> -> memref<4096xi32, #tpu.memory_space<vmem>>
    %dma_start3A_81 = tpu.memref_slice %arg2[%mul3A_77] : memref<16384xi32, #tpu.memory_space<hbm>> -> memref<4096xi32, #tpu.memory_space<hbm>>
    %dma_start3A_82 = tpu.memref_slice %arg5[%mul3A_79] : memref<16384xi32, #tpu.memory_space<vmem>> -> memref<4096xi32, #tpu.memory_space<vmem>>
    %dma_start3A_83 = tpu.memref_slice %arg2[%mul3A_77] : memref<16384xi32, #tpu.memory_space<hbm>> -> memref<4096xi32, #tpu.memory_space<hbm>>
    tpu.enqueue_dma source(%dma_start3A_83 : memref<4096xi32, #tpu.memory_space<hbm>>) target(%dma_start3A_82 : memref<4096xi32, #tpu.memory_space<vmem>>) target_semaphore(%arg14 : memref<!tpu.dma_semaphore, #tpu.memory_space<semaphore_mem>>)
    %add3A_84 = arith.constant 3 : i32
    %add3A_85 = arith.addi %add3A, %add3A_84 : i32
    %jit3A_86 = arith.constant 4 : i32
    %eq3A_87 = arith.constant 0 : i32
    %eq3A_88 = arith.cmpi eq, %jit3A_86, %eq3A_87 : i32
    %jit3A_89 = arith.constant 1 : i32
    %select_n3A_90 = arith.select %eq3A_88, %jit3A_89, %jit3A_86 : i32
    %rem3A_91 = arith.remsi %add3A_85, %select_n3A_90 : i32
    %ne3A_92 = arith.constant 0 : i32
    %ne3A_93 = arith.cmpi ne, %rem3A_91, %ne3A_92 : i32
    %lt3A_94 = arith.constant 0 : i32
    %lt3A_95 = arith.cmpi slt, %rem3A_91, %lt3A_94 : i32
    %lt3A_96 = arith.constant 0 : i32
    %lt3A_97 = arith.cmpi slt, %select_n3A_90, %lt3A_96 : i32
    %ne3A_98 = arith.xori %lt3A_95, %lt3A_97 : i1
    %and3A_99 = arith.andi %ne3A_98, %ne3A_93 : i1
    %add3A_100 = arith.addi %rem3A_91, %select_n3A_90 : i32
    %select_n3A_101 = arith.select %and3A_99, %add3A_100, %rem3A_91 : i32
    %mul3A_102 = arith.constant 4096 : i32
    %mul3A_103 = arith.muli %select_n3A_101, %mul3A_102 : i32
    %mul3A_104 = arith.constant 4096 : i32
    %mul3A_105 = arith.muli %select_n3A_101, %mul3A_104 : i32
    %dma_start3A_106 = tpu.memref_slice %arg5[%mul3A_105] : memref<16384xi32, #tpu.memory_space<vmem>> -> memref<4096xi32, #tpu.memory_space<vmem>>
    %dma_start3A_107 = tpu.memref_slice %arg2[%mul3A_103] : memref<16384xi32, #tpu.memory_space<hbm>> -> memref<4096xi32, #tpu.memory_space<hbm>>
    %dma_start3A_108 = tpu.memref_slice %arg5[%mul3A_105] : memref<16384xi32, #tpu.memory_space<vmem>> -> memref<4096xi32, #tpu.memory_space<vmem>>
    %dma_start3A_109 = tpu.memref_slice %arg2[%mul3A_103] : memref<16384xi32, #tpu.memory_space<hbm>> -> memref<4096xi32, #tpu.memory_space<hbm>>
    tpu.enqueue_dma source(%dma_start3A_109 : memref<4096xi32, #tpu.memory_space<hbm>>) target(%dma_start3A_108 : memref<4096xi32, #tpu.memory_space<vmem>>) target_semaphore(%arg14 : memref<!tpu.dma_semaphore, #tpu.memory_space<semaphore_mem>>)
    %dma_wait3A = arith.constant 0 : i32
    %dma_wait3A_110 = tpu.memref_slice %arg5[%dma_wait3A] : memref<16384xi32, #tpu.memory_space<vmem>> -> memref<4096xi32, #tpu.memory_space<vmem>>
    %dma_wait3A_111 = arith.constant 0 : i32
    %dma_wait3A_112 = tpu.memref_slice %arg2[%dma_wait3A_111] : memref<16384xi32, #tpu.memory_space<hbm>> -> memref<4096xi32, #tpu.memory_space<hbm>>
    %dma_wait3A_113 = arith.constant 0 : i32
    %dma_wait3A_114 = tpu.memref_slice %arg5[%dma_wait3A_113] : memref<16384xi32, #tpu.memory_space<vmem>> -> memref<4096xi32, #tpu.memory_space<vmem>>
    %dma_wait3A_115 = arith.constant 0 : i32
    %dma_wait3A_116 = tpu.memref_slice %arg2[%dma_wait3A_115] : memref<16384xi32, #tpu.memory_space<hbm>> -> memref<4096xi32, #tpu.memory_space<hbm>>
    tpu.wait_dma2 semaphore(%arg14 : memref<!tpu.dma_semaphore, #tpu.memory_space<semaphore_mem>>) src(%dma_wait3A_116 : memref<4096xi32, #tpu.memory_space<hbm>>) dst(%dma_wait3A_114 : memref<4096xi32, #tpu.memory_space<vmem>>)
    %dma_wait3A_117 = arith.constant 0 : i32
    %dma_wait3A_118 = tpu.memref_slice %arg5[%dma_wait3A_117] : memref<16384xi32, #tpu.memory_space<vmem>> -> memref<4096xi32, #tpu.memory_space<vmem>>
    %dma_wait3A_119 = arith.constant 0 : i32
    %dma_wait3A_120 = tpu.memref_slice %arg2[%dma_wait3A_119] : memref<16384xi32, #tpu.memory_space<hbm>> -> memref<4096xi32, #tpu.memory_space<hbm>>
    %dma_wait3A_121 = arith.constant 0 : i32
    %dma_wait3A_122 = tpu.memref_slice %arg5[%dma_wait3A_121] : memref<16384xi32, #tpu.memory_space<vmem>> -> memref<4096xi32, #tpu.memory_space<vmem>>
    %dma_wait3A_123 = arith.constant 0 : i32
    %dma_wait3A_124 = tpu.memref_slice %arg2[%dma_wait3A_123] : memref<16384xi32, #tpu.memory_space<hbm>> -> memref<4096xi32, #tpu.memory_space<hbm>>
    tpu.wait_dma2 semaphore(%arg14 : memref<!tpu.dma_semaphore, #tpu.memory_space<semaphore_mem>>) src(%dma_wait3A_124 : memref<4096xi32, #tpu.memory_space<hbm>>) dst(%dma_wait3A_122 : memref<4096xi32, #tpu.memory_space<vmem>>)
    %dma_wait3A_125 = arith.constant 0 : i32
    %dma_wait3A_126 = tpu.memref_slice %arg5[%dma_wait3A_125] : memref<16384xi32, #tpu.memory_space<vmem>> -> memref<4096xi32, #tpu.memory_space<vmem>>
    %dma_wait3A_127 = arith.constant 0 : i32
    %dma_wait3A_128 = tpu.memref_slice %arg2[%dma_wait3A_127] : memref<16384xi32, #tpu.memory_space<hbm>> -> memref<4096xi32, #tpu.memory_space<hbm>>
    %dma_wait3A_129 = arith.constant 0 : i32
    %dma_wait3A_130 = tpu.memref_slice %arg5[%dma_wait3A_129] : memref<16384xi32, #tpu.memory_space<vmem>> -> memref<4096xi32, #tpu.memory_space<vmem>>
    %dma_wait3A_131 = arith.constant 0 : i32
    %dma_wait3A_132 = tpu.memref_slice %arg2[%dma_wait3A_131] : memref<16384xi32, #tpu.memory_space<hbm>> -> memref<4096xi32, #tpu.memory_space<hbm>>
    tpu.wait_dma2 semaphore(%arg14 : memref<!tpu.dma_semaphore, #tpu.memory_space<semaphore_mem>>) src(%dma_wait3A_132 : memref<4096xi32, #tpu.memory_space<hbm>>) dst(%dma_wait3A_130 : memref<4096xi32, #tpu.memory_space<vmem>>)
    %dma_wait3A_133 = arith.constant 0 : i32
    %dma_wait3A_134 = tpu.memref_slice %arg5[%dma_wait3A_133] : memref<16384xi32, #tpu.memory_space<vmem>> -> memref<4096xi32, #tpu.memory_space<vmem>>
    %dma_wait3A_135 = arith.constant 0 : i32
    %dma_wait3A_136 = tpu.memref_slice %arg2[%dma_wait3A_135] : memref<16384xi32, #tpu.memory_space<hbm>> -> memref<4096xi32, #tpu.memory_space<hbm>>
    %dma_wait3A_137 = arith.constant 0 : i32
    %dma_wait3A_138 = tpu.memref_slice %arg5[%dma_wait3A_137] : memref<16384xi32, #tpu.memory_space<vmem>> -> memref<4096xi32, #tpu.memory_space<vmem>>
    %dma_wait3A_139 = arith.constant 0 : i32
    %dma_wait3A_140 = tpu.memref_slice %arg2[%dma_wait3A_139] : memref<16384xi32, #tpu.memory_space<hbm>> -> memref<4096xi32, #tpu.memory_space<hbm>>
    tpu.wait_dma2 semaphore(%arg14 : memref<!tpu.dma_semaphore, #tpu.memory_space<semaphore_mem>>) src(%dma_wait3A_140 : memref<4096xi32, #tpu.memory_space<hbm>>) dst(%dma_wait3A_138 : memref<4096xi32, #tpu.memory_space<vmem>>)
    %jit3A_141 = arith.constant 128 : i32
    %div3A = arith.divsi %select_n3A, %jit3A_141 : i32
    %sign3A = arith.constant 0 : i32
    %sign3A_142 = arith.cmpi sgt, %select_n3A, %sign3A : i32
    %sign3A_143 = arith.extui %sign3A_142 : i1 to i32
    %sign3A_144 = arith.constant 0 : i32
    %sign3A_145 = arith.cmpi slt, %select_n3A, %sign3A_144 : i32
    %sign3A_146 = arith.extui %sign3A_145 : i1 to i32
    %sign3A_147 = arith.subi %sign3A_143, %sign3A_146 : i32
    %sign3A_148 = arith.constant 0 : i32
    %sign3A_149 = arith.cmpi sgt, %jit3A_141, %sign3A_148 : i32
    %sign3A_150 = arith.extui %sign3A_149 : i1 to i32
    %sign3A_151 = arith.constant 0 : i32
    %sign3A_152 = arith.cmpi slt, %jit3A_141, %sign3A_151 : i32
    %sign3A_153 = arith.extui %sign3A_152 : i1 to i32
    %sign3A_154 = arith.subi %sign3A_150, %sign3A_153 : i32
    %ne3A_155 = arith.cmpi ne, %sign3A_147, %sign3A_154 : i32
    %rem3A_156 = arith.remsi %select_n3A, %jit3A_141 : i32
    %ne3A_157 = arith.constant 0 : i32
    %ne3A_158 = arith.cmpi ne, %rem3A_156, %ne3A_157 : i32
    %and3A_159 = arith.andi %ne3A_155, %ne3A_158 : i1
    %sub3A = arith.constant 1 : i32
    %sub3A_160 = arith.subi %div3A, %sub3A : i32
    %select_n3A_161 = arith.select %and3A_159, %sub3A_160, %div3A : i32
    %while3A = arith.constant 0 : i32
    %while3A_162 = arith.constant 0 : i32
    %while3A_163 = arith.subi %select_n3A_161, %while3A_162 : i32
    %while3A_164 = arith.addi %while3A_162, %while3A_163 : i32
    %while3A_165 = arith.constant 1 : i32
    %while3A_166 = arith.divsi %while3A_163, %while3A_165 : i32
    %while3A_167 = arith.muli %while3A_166, %while3A_165 : i32
    %while3A_168 = arith.addi %while3A_162, %while3A_167 : i32
    %while3A_169 = arith.constant 1 : i32
    scf.for %while3A_380 = %while3A_162 to %while3A_168 step %while3A_169  : i32 {
      %mul3A_381 = arith.constant 128 : i32
      %mul3A_382 = arith.muli %while3A_380, %mul3A_381 : i32
      %add3A_383 = arith.addi %mul3A_2, %mul3A_382 : i32
      %dma_start3A_384 = arith.constant 0 : i32
      %dma_start3A_385 = tpu.memref_slice %arg4[%add3A_383, %dma_start3A_384] : memref<100000x128xf32, #tpu.memory_space<hbm>> -> memref<128x128xf32, #tpu.memory_space<hbm>>
      %dma_start3A_386 = arith.constant 0 : i32
      %dma_start3A_387 = tpu.memref_slice %arg4[%add3A_383, %dma_start3A_386] : memref<100000x128xf32, #tpu.memory_space<hbm>> -> memref<128x128xf32, #tpu.memory_space<hbm>>
      tpu.enqueue_dma source(%arg7 : memref<128x128xf32, #tpu.memory_space<vmem>>) target(%dma_start3A_387 : memref<128x128xf32, #tpu.memory_space<hbm>>) target_semaphore(%arg13 : memref<!tpu.dma_semaphore, #tpu.memory_space<semaphore_mem>>)
    }
    %while3A_170 = arith.constant 1 : i32
    scf.for %while3A_380 = %while3A_168 to %while3A_164 step %while3A_170  : i32 {
      %mul3A_381 = arith.constant 128 : i32
      %mul3A_382 = arith.muli %while3A_380, %mul3A_381 : i32
      %add3A_383 = arith.addi %mul3A_2, %mul3A_382 : i32
      %dma_start3A_384 = arith.constant 0 : i32
      %dma_start3A_385 = tpu.memref_slice %arg4[%add3A_383, %dma_start3A_384] : memref<100000x128xf32, #tpu.memory_space<hbm>> -> memref<128x128xf32, #tpu.memory_space<hbm>>
      %dma_start3A_386 = arith.constant 0 : i32
      %dma_start3A_387 = tpu.memref_slice %arg4[%add3A_383, %dma_start3A_386] : memref<100000x128xf32, #tpu.memory_space<hbm>> -> memref<128x128xf32, #tpu.memory_space<hbm>>
      tpu.enqueue_dma source(%arg7 : memref<128x128xf32, #tpu.memory_space<vmem>>) target(%dma_start3A_387 : memref<128x128xf32, #tpu.memory_space<hbm>>) target_semaphore(%arg13 : memref<!tpu.dma_semaphore, #tpu.memory_space<semaphore_mem>>)
    }
    %eq3A_171 = arith.constant 31 : i32
    %eq3A_172 = arith.cmpi eq, %add3A, %eq3A_171 : i32
    %convert_element_type3A = arith.extui %eq3A_172 : i1 to i32
    %cond3A = arith.constant 0 : i32
    %cond3A_173 = arith.cmpi ne, %convert_element_type3A, %cond3A : i32
    scf.if %cond3A_173 {
      %dma_start3A_380 = arith.constant 0 : i32
      %dma_start3A_381 = arith.constant 0 : i32
      %dma_start3A_382 = tpu.memref_slice %arg7[%dma_start3A_380, %dma_start3A_381] : memref<128x128xf32, #tpu.memory_space<vmem>> -> memref<32x128xf32, #tpu.memory_space<vmem>>
      %dma_start3A_383 = arith.constant 99968 : i32
      %dma_start3A_384 = arith.constant 0 : i32
      %dma_start3A_385 = tpu.memref_slice %arg4[%dma_start3A_383, %dma_start3A_384] : memref<100000x128xf32, #tpu.memory_space<hbm>> -> memref<32x128xf32, #tpu.memory_space<hbm>>
      %dma_start3A_386 = arith.constant 99968 : i32
      %dma_start3A_387 = arith.constant 0 : i32
      %dma_start3A_388 = tpu.memref_slice %arg4[%dma_start3A_386, %dma_start3A_387] : memref<100000x128xf32, #tpu.memory_space<hbm>> -> memref<32x128xf32, #tpu.memory_space<hbm>>
      %dma_start3A_389 = arith.constant 0 : i32
      %dma_start3A_390 = arith.constant 0 : i32
      %dma_start3A_391 = tpu.memref_slice %arg7[%dma_start3A_389, %dma_start3A_390] : memref<128x128xf32, #tpu.memory_space<vmem>> -> memref<32x128xf32, #tpu.memory_space<vmem>>
      tpu.enqueue_dma source(%dma_start3A_391 : memref<32x128xf32, #tpu.memory_space<vmem>>) target(%dma_start3A_388 : memref<32x128xf32, #tpu.memory_space<hbm>>) target_semaphore(%arg13 : memref<!tpu.dma_semaphore, #tpu.memory_space<semaphore_mem>>)
    } else {
    }
    %broadcast_in_dim3A_174 = vector.broadcast %select_n3A : i32 to vector<16xi32>
    %bitcast3A = vector.bitcast %broadcast_in_dim3A_174 : vector<16xi32> to vector<16xi32>
    %broadcast_in_dim3A_175 = arith.constant -1 : i32
    %broadcast_in_dim3A_176 = vector.broadcast %broadcast_in_dim3A_175 : i32 to vector<16xi32>
    %scan3A_177 = arith.constant 0 : i32
    %scan3A_178 = arith.constant 0 : i32
    %scan3A_179 = arith.constant 256 : i32
    %scan3A_180 = arith.addi %scan3A_178, %scan3A_179 : i32
    %scan3A_181 = arith.constant 4 : i32
    scf.for %scan3A_380 = %scan3A_178 to %scan3A_180 step %scan3A_181  : i32 {
      %mul3A_381 = arith.constant 16 : i32
      %mul3A_382 = arith.muli %scan3A_380, %mul3A_381 : i32
      %swap3A = arith.index_cast %mul3A_382 : i32 to index
      %swap3A_383 = tpu.vector_load %arg6[%swap3A] {strides = array<i32>} : memref<4096xi32, #tpu.memory_space<vmem>>, vector<16xi32>,
      tpu.vector_store %arg6[%swap3A], %broadcast_in_dim3A_176 {strides = array<i32>} : memref<4096xi32, #tpu.memory_space<vmem>>, vector<16xi32>,
      %scan3A_384 = arith.constant 1 : i32
      %scan3A_385 = arith.addi %scan3A_380, %scan3A_384 : i32
      %mul3A_386 = arith.constant 16 : i32
      %mul3A_387 = arith.muli %scan3A_385, %mul3A_386 : i32
      %swap3A_388 = arith.index_cast %mul3A_387 : i32 to index
      %swap3A_389 = tpu.vector_load %arg6[%swap3A_388] {strides = array<i32>} : memref<4096xi32, #tpu.memory_space<vmem>>, vector<16xi32>,
      tpu.vector_store %arg6[%swap3A_388], %broadcast_in_dim3A_176 {strides = array<i32>} : memref<4096xi32, #tpu.memory_space<vmem>>, vector<16xi32>,
      %scan3A_390 = arith.constant 2 : i32
      %scan3A_391 = arith.addi %scan3A_380, %scan3A_390 : i32
      %mul3A_392 = arith.constant 16 : i32
      %mul3A_393 = arith.muli %scan3A_391, %mul3A_392 : i32
      %swap3A_394 = arith.index_cast %mul3A_393 : i32 to index
      %swap3A_395 = tpu.vector_load %arg6[%swap3A_394] {strides = array<i32>} : memref<4096xi32, #tpu.memory_space<vmem>>, vector<16xi32>,
      tpu.vector_store %arg6[%swap3A_394], %broadcast_in_dim3A_176 {strides = array<i32>} : memref<4096xi32, #tpu.memory_space<vmem>>, vector<16xi32>,
      %scan3A_396 = arith.constant 3 : i32
      %scan3A_397 = arith.addi %scan3A_380, %scan3A_396 : i32
      %mul3A_398 = arith.constant 16 : i32
      %mul3A_399 = arith.muli %scan3A_397, %mul3A_398 : i32
      %swap3A_400 = arith.index_cast %mul3A_399 : i32 to index
      %swap3A_401 = tpu.vector_load %arg6[%swap3A_400] {strides = array<i32>} : memref<4096xi32, #tpu.memory_space<vmem>>, vector<16xi32>,
      tpu.vector_store %arg6[%swap3A_400], %broadcast_in_dim3A_176 {strides = array<i32>} : memref<4096xi32, #tpu.memory_space<vmem>>, vector<16xi32>,
    }
    %scan3A_182 = arith.constant 256 : i32
    %broadcast_in_dim3A_183 = arith.constant 0 : i32
    %broadcast_in_dim3A_184 = vector.broadcast %broadcast_in_dim3A_183 : i32 to vector<16xi32>
    %scan3A_185 = arith.constant 0 : i32
    %scan3A_186 = arith.constant 1024 : i32
    %scan3A_187 = arith.addi %scan3A_185, %scan3A_186 : i32
    %scan3A_188 = arith.constant 8 : i32
    %scan3A_189 = scf.for %scan3A_380 = %scan3A_185 to %scan3A_187 step %scan3A_188 iter_args(%scan3A_381 = %broadcast_in_dim3A_184) -> (vector<16xi32>)  : i32 {
      %mul3A_382 = arith.constant 16 : i32
      %mul3A_383 = arith.muli %scan3A_380, %mul3A_382 : i32
      %get3A = arith.index_cast %mul3A_383 : i32 to index
      %get3A_384 = tpu.vector_load %arg5[%get3A] {strides = array<i32>} : memref<16384xi32, #tpu.memory_space<vmem>>, vector<16xi32>,
      %sub3A_385 = vector.broadcast %mul3A_2 : i32 to vector<16xi32>
      %sub3A_386 = arith.subi %get3A_384, %sub3A_385 : vector<16xi32>
      %bitcast3A_387 = vector.bitcast %sub3A_386 : vector<16xi32> to vector<16xi32>
      %lt3A_388 = arith.cmpi ult, %bitcast3A_387, %bitcast3A : vector<16xi32>
      %and3A_389 = arith.constant 4095 : i32
      %and3A_390 = vector.broadcast %and3A_389 : i32 to vector<16xi32>
      %and3A_391 = arith.andi %sub3A_386, %and3A_390 : vector<16xi32>
      %mul3A_392 = arith.constant 16 : i32
      %mul3A_393 = arith.muli %scan3A_380, %mul3A_392 : i32
      %add3A_394 = vector.broadcast %mul3A_393 : i32 to vector<16xi32>
      %add3A_395 = arith.addi %add3A_394, %iota3A : vector<16xi32>
      tpu.vector_store_idx %arg6[%and3A_391], %add3A_395 masked %lt3A_388 : memref<4096xi32, #tpu.memory_space<vmem>>[vector<16xi32>], vector<16xi32>, vector<16xi1>
      %gather3A_396 = tpu.vector_load_idx %arg6[%and3A_391] : memref<4096xi32, #tpu.memory_space<vmem>>[vector<16xi32>], vector<16xi32>,
      %lt3A_397 = arith.cmpi slt, %gather3A_396, %add3A_395 : vector<16xi32>
      %and3A_398 = arith.andi %lt3A_388, %lt3A_397 : vector<16xi1>
      %convert_element_type3A_399 = arith.extui %and3A_398 : vector<16xi1> to vector<16xi32>
      %add3A_400 = arith.addi %scan3A_381, %convert_element_type3A_399 : vector<16xi32>
      %scan3A_401 = arith.constant 1 : i32
      %scan3A_402 = arith.addi %scan3A_380, %scan3A_401 : i32
      %mul3A_403 = arith.constant 16 : i32
      %mul3A_404 = arith.muli %scan3A_402, %mul3A_403 : i32
      %get3A_405 = arith.index_cast %mul3A_404 : i32 to index
      %get3A_406 = tpu.vector_load %arg5[%get3A_405] {strides = array<i32>} : memref<16384xi32, #tpu.memory_space<vmem>>, vector<16xi32>,
      %sub3A_407 = vector.broadcast %mul3A_2 : i32 to vector<16xi32>
      %sub3A_408 = arith.subi %get3A_406, %sub3A_407 : vector<16xi32>
      %bitcast3A_409 = vector.bitcast %sub3A_408 : vector<16xi32> to vector<16xi32>
      %lt3A_410 = arith.cmpi ult, %bitcast3A_409, %bitcast3A : vector<16xi32>
      %and3A_411 = arith.constant 4095 : i32
      %and3A_412 = vector.broadcast %and3A_411 : i32 to vector<16xi32>
      %and3A_413 = arith.andi %sub3A_408, %and3A_412 : vector<16xi32>
      %mul3A_414 = arith.constant 16 : i32
      %mul3A_415 = arith.muli %scan3A_402, %mul3A_414 : i32
      %add3A_416 = vector.broadcast %mul3A_415 : i32 to vector<16xi32>
      %add3A_417 = arith.addi %add3A_416, %iota3A : vector<16xi32>
      tpu.vector_store_idx %arg6[%and3A_413], %add3A_417 masked %lt3A_410 : memref<4096xi32, #tpu.memory_space<vmem>>[vector<16xi32>], vector<16xi32>, vector<16xi1>
      %gather3A_418 = tpu.vector_load_idx %arg6[%and3A_413] : memref<4096xi32, #tpu.memory_space<vmem>>[vector<16xi32>], vector<16xi32>,
      %lt3A_419 = arith.cmpi slt, %gather3A_418, %add3A_417 : vector<16xi32>
      %and3A_420 = arith.andi %lt3A_410, %lt3A_419 : vector<16xi1>
      %convert_element_type3A_421 = arith.extui %and3A_420 : vector<16xi1> to vector<16xi32>
      %add3A_422 = arith.addi %add3A_400, %convert_element_type3A_421 : vector<16xi32>
      %scan3A_423 = arith.constant 2 : i32
      %scan3A_424 = arith.addi %scan3A_380, %scan3A_423 : i32
      %mul3A_425 = arith.constant 16 : i32
      %mul3A_426 = arith.muli %scan3A_424, %mul3A_425 : i32
      %get3A_427 = arith.index_cast %mul3A_426 : i32 to index
      %get3A_428 = tpu.vector_load %arg5[%get3A_427] {strides = array<i32>} : memref<16384xi32, #tpu.memory_space<vmem>>, vector<16xi32>,
      %sub3A_429 = vector.broadcast %mul3A_2 : i32 to vector<16xi32>
      %sub3A_430 = arith.subi %get3A_428, %sub3A_429 : vector<16xi32>
      %bitcast3A_431 = vector.bitcast %sub3A_430 : vector<16xi32> to vector<16xi32>
      %lt3A_432 = arith.cmpi ult, %bitcast3A_431, %bitcast3A : vector<16xi32>
      %and3A_433 = arith.constant 4095 : i32
      %and3A_434 = vector.broadcast %and3A_433 : i32 to vector<16xi32>
      %and3A_435 = arith.andi %sub3A_430, %and3A_434 : vector<16xi32>
      %mul3A_436 = arith.constant 16 : i32
      %mul3A_437 = arith.muli %scan3A_424, %mul3A_436 : i32
      %add3A_438 = vector.broadcast %mul3A_437 : i32 to vector<16xi32>
      %add3A_439 = arith.addi %add3A_438, %iota3A : vector<16xi32>
      tpu.vector_store_idx %arg6[%and3A_435], %add3A_439 masked %lt3A_432 : memref<4096xi32, #tpu.memory_space<vmem>>[vector<16xi32>], vector<16xi32>, vector<16xi1>
      %gather3A_440 = tpu.vector_load_idx %arg6[%and3A_435] : memref<4096xi32, #tpu.memory_space<vmem>>[vector<16xi32>], vector<16xi32>,
      %lt3A_441 = arith.cmpi slt, %gather3A_440, %add3A_439 : vector<16xi32>
      %and3A_442 = arith.andi %lt3A_432, %lt3A_441 : vector<16xi1>
      %convert_element_type3A_443 = arith.extui %and3A_442 : vector<16xi1> to vector<16xi32>
      %add3A_444 = arith.addi %add3A_422, %convert_element_type3A_443 : vector<16xi32>
      %scan3A_445 = arith.constant 3 : i32
      %scan3A_446 = arith.addi %scan3A_380, %scan3A_445 : i32
      %mul3A_447 = arith.constant 16 : i32
      %mul3A_448 = arith.muli %scan3A_446, %mul3A_447 : i32
      %get3A_449 = arith.index_cast %mul3A_448 : i32 to index
      %get3A_450 = tpu.vector_load %arg5[%get3A_449] {strides = array<i32>} : memref<16384xi32, #tpu.memory_space<vmem>>, vector<16xi32>,
      %sub3A_451 = vector.broadcast %mul3A_2 : i32 to vector<16xi32>
      %sub3A_452 = arith.subi %get3A_450, %sub3A_451 : vector<16xi32>
      %bitcast3A_453 = vector.bitcast %sub3A_452 : vector<16xi32> to vector<16xi32>
      %lt3A_454 = arith.cmpi ult, %bitcast3A_453, %bitcast3A : vector<16xi32>
      %and3A_455 = arith.constant 4095 : i32
      %and3A_456 = vector.broadcast %and3A_455 : i32 to vector<16xi32>
      %and3A_457 = arith.andi %sub3A_452, %and3A_456 : vector<16xi32>
      %mul3A_458 = arith.constant 16 : i32
      %mul3A_459 = arith.muli %scan3A_446, %mul3A_458 : i32
      %add3A_460 = vector.broadcast %mul3A_459 : i32 to vector<16xi32>
      %add3A_461 = arith.addi %add3A_460, %iota3A : vector<16xi32>
      tpu.vector_store_idx %arg6[%and3A_457], %add3A_461 masked %lt3A_454 : memref<4096xi32, #tpu.memory_space<vmem>>[vector<16xi32>], vector<16xi32>, vector<16xi1>
      %gather3A_462 = tpu.vector_load_idx %arg6[%and3A_457] : memref<4096xi32, #tpu.memory_space<vmem>>[vector<16xi32>], vector<16xi32>,
      %lt3A_463 = arith.cmpi slt, %gather3A_462, %add3A_461 : vector<16xi32>
      %and3A_464 = arith.andi %lt3A_454, %lt3A_463 : vector<16xi1>
      %convert_element_type3A_465 = arith.extui %and3A_464 : vector<16xi1> to vector<16xi32>
      %add3A_466 = arith.addi %add3A_444, %convert_element_type3A_465 : vector<16xi32>
      %scan3A_467 = arith.constant 4 : i32
      %scan3A_468 = arith.addi %scan3A_380, %scan3A_467 : i32
      %mul3A_469 = arith.constant 16 : i32
      %mul3A_470 = arith.muli %scan3A_468, %mul3A_469 : i32
      %get3A_471 = arith.index_cast %mul3A_470 : i32 to index
      %get3A_472 = tpu.vector_load %arg5[%get3A_471] {strides = array<i32>} : memref<16384xi32, #tpu.memory_space<vmem>>, vector<16xi32>,
      %sub3A_473 = vector.broadcast %mul3A_2 : i32 to vector<16xi32>
      %sub3A_474 = arith.subi %get3A_472, %sub3A_473 : vector<16xi32>
      %bitcast3A_475 = vector.bitcast %sub3A_474 : vector<16xi32> to vector<16xi32>
      %lt3A_476 = arith.cmpi ult, %bitcast3A_475, %bitcast3A : vector<16xi32>
      %and3A_477 = arith.constant 4095 : i32
      %and3A_478 = vector.broadcast %and3A_477 : i32 to vector<16xi32>
      %and3A_479 = arith.andi %sub3A_474, %and3A_478 : vector<16xi32>
      %mul3A_480 = arith.constant 16 : i32
      %mul3A_481 = arith.muli %scan3A_468, %mul3A_480 : i32
      %add3A_482 = vector.broadcast %mul3A_481 : i32 to vector<16xi32>
      %add3A_483 = arith.addi %add3A_482, %iota3A : vector<16xi32>
      tpu.vector_store_idx %arg6[%and3A_479], %add3A_483 masked %lt3A_476 : memref<4096xi32, #tpu.memory_space<vmem>>[vector<16xi32>], vector<16xi32>, vector<16xi1>
      %gather3A_484 = tpu.vector_load_idx %arg6[%and3A_479] : memref<4096xi32, #tpu.memory_space<vmem>>[vector<16xi32>], vector<16xi32>,
      %lt3A_485 = arith.cmpi slt, %gather3A_484, %add3A_483 : vector<16xi32>
      %and3A_486 = arith.andi %lt3A_476, %lt3A_485 : vector<16xi1>
      %convert_element_type3A_487 = arith.extui %and3A_486 : vector<16xi1> to vector<16xi32>
      %add3A_488 = arith.addi %add3A_466, %convert_element_type3A_487 : vector<16xi32>
      %scan3A_489 = arith.constant 5 : i32
      %scan3A_490 = arith.addi %scan3A_380, %scan3A_489 : i32
      %mul3A_491 = arith.constant 16 : i32
      %mul3A_492 = arith.muli %scan3A_490, %mul3A_491 : i32
      %get3A_493 = arith.index_cast %mul3A_492 : i32 to index
      %get3A_494 = tpu.vector_load %arg5[%get3A_493] {strides = array<i32>} : memref<16384xi32, #tpu.memory_space<vmem>>, vector<16xi32>,
      %sub3A_495 = vector.broadcast %mul3A_2 : i32 to vector<16xi32>
      %sub3A_496 = arith.subi %get3A_494, %sub3A_495 : vector<16xi32>
      %bitcast3A_497 = vector.bitcast %sub3A_496 : vector<16xi32> to vector<16xi32>
      %lt3A_498 = arith.cmpi ult, %bitcast3A_497, %bitcast3A : vector<16xi32>
      %and3A_499 = arith.constant 4095 : i32
      %and3A_500 = vector.broadcast %and3A_499 : i32 to vector<16xi32>
      %and3A_501 = arith.andi %sub3A_496, %and3A_500 : vector<16xi32>
      %mul3A_502 = arith.constant 16 : i32
      %mul3A_503 = arith.muli %scan3A_490, %mul3A_502 : i32
      %add3A_504 = vector.broadcast %mul3A_503 : i32 to vector<16xi32>
      %add3A_505 = arith.addi %add3A_504, %iota3A : vector<16xi32>
      tpu.vector_store_idx %arg6[%and3A_501], %add3A_505 masked %lt3A_498 : memref<4096xi32, #tpu.memory_space<vmem>>[vector<16xi32>], vector<16xi32>, vector<16xi1>
      %gather3A_506 = tpu.vector_load_idx %arg6[%and3A_501] : memref<4096xi32, #tpu.memory_space<vmem>>[vector<16xi32>], vector<16xi32>,
      %lt3A_507 = arith.cmpi slt, %gather3A_506, %add3A_505 : vector<16xi32>
      %and3A_508 = arith.andi %lt3A_498, %lt3A_507 : vector<16xi1>
      %convert_element_type3A_509 = arith.extui %and3A_508 : vector<16xi1> to vector<16xi32>
      %add3A_510 = arith.addi %add3A_488, %convert_element_type3A_509 : vector<16xi32>
      %scan3A_511 = arith.constant 6 : i32
      %scan3A_512 = arith.addi %scan3A_380, %scan3A_511 : i32
      %mul3A_513 = arith.constant 16 : i32
      %mul3A_514 = arith.muli %scan3A_512, %mul3A_513 : i32
      %get3A_515 = arith.index_cast %mul3A_514 : i32 to index
      %get3A_516 = tpu.vector_load %arg5[%get3A_515] {strides = array<i32>} : memref<16384xi32, #tpu.memory_space<vmem>>, vector<16xi32>,
      %sub3A_517 = vector.broadcast %mul3A_2 : i32 to vector<16xi32>
      %sub3A_518 = arith.subi %get3A_516, %sub3A_517 : vector<16xi32>
      %bitcast3A_519 = vector.bitcast %sub3A_518 : vector<16xi32> to vector<16xi32>
      %lt3A_520 = arith.cmpi ult, %bitcast3A_519, %bitcast3A : vector<16xi32>
      %and3A_521 = arith.constant 4095 : i32
      %and3A_522 = vector.broadcast %and3A_521 : i32 to vector<16xi32>
      %and3A_523 = arith.andi %sub3A_518, %and3A_522 : vector<16xi32>
      %mul3A_524 = arith.constant 16 : i32
      %mul3A_525 = arith.muli %scan3A_512, %mul3A_524 : i32
      %add3A_526 = vector.broadcast %mul3A_525 : i32 to vector<16xi32>
      %add3A_527 = arith.addi %add3A_526, %iota3A : vector<16xi32>
      tpu.vector_store_idx %arg6[%and3A_523], %add3A_527 masked %lt3A_520 : memref<4096xi32, #tpu.memory_space<vmem>>[vector<16xi32>], vector<16xi32>, vector<16xi1>
      %gather3A_528 = tpu.vector_load_idx %arg6[%and3A_523] : memref<4096xi32, #tpu.memory_space<vmem>>[vector<16xi32>], vector<16xi32>,
      %lt3A_529 = arith.cmpi slt, %gather3A_528, %add3A_527 : vector<16xi32>
      %and3A_530 = arith.andi %lt3A_520, %lt3A_529 : vector<16xi1>
      %convert_element_type3A_531 = arith.extui %and3A_530 : vector<16xi1> to vector<16xi32>
      %add3A_532 = arith.addi %add3A_510, %convert_element_type3A_531 : vector<16xi32>
      %scan3A_533 = arith.constant 7 : i32
      %scan3A_534 = arith.addi %scan3A_380, %scan3A_533 : i32
      %mul3A_535 = arith.constant 16 : i32
      %mul3A_536 = arith.muli %scan3A_534, %mul3A_535 : i32
      %get3A_537 = arith.index_cast %mul3A_536 : i32 to index
      %get3A_538 = tpu.vector_load %arg5[%get3A_537] {strides = array<i32>} : memref<16384xi32, #tpu.memory_space<vmem>>, vector<16xi32>,
      %sub3A_539 = vector.broadcast %mul3A_2 : i32 to vector<16xi32>
      %sub3A_540 = arith.subi %get3A_538, %sub3A_539 : vector<16xi32>
      %bitcast3A_541 = vector.bitcast %sub3A_540 : vector<16xi32> to vector<16xi32>
      %lt3A_542 = arith.cmpi ult, %bitcast3A_541, %bitcast3A : vector<16xi32>
      %and3A_543 = arith.constant 4095 : i32
      %and3A_544 = vector.broadcast %and3A_543 : i32 to vector<16xi32>
      %and3A_545 = arith.andi %sub3A_540, %and3A_544 : vector<16xi32>
      %mul3A_546 = arith.constant 16 : i32
      %mul3A_547 = arith.muli %scan3A_534, %mul3A_546 : i32
      %add3A_548 = vector.broadcast %mul3A_547 : i32 to vector<16xi32>
      %add3A_549 = arith.addi %add3A_548, %iota3A : vector<16xi32>
      tpu.vector_store_idx %arg6[%and3A_545], %add3A_549 masked %lt3A_542 : memref<4096xi32, #tpu.memory_space<vmem>>[vector<16xi32>], vector<16xi32>, vector<16xi1>
      %gather3A_550 = tpu.vector_load_idx %arg6[%and3A_545] : memref<4096xi32, #tpu.memory_space<vmem>>[vector<16xi32>], vector<16xi32>,
      %lt3A_551 = arith.cmpi slt, %gather3A_550, %add3A_549 : vector<16xi32>
      %and3A_552 = arith.andi %lt3A_542, %lt3A_551 : vector<16xi1>
      %convert_element_type3A_553 = arith.extui %and3A_552 : vector<16xi1> to vector<16xi32>
      %add3A_554 = arith.addi %add3A_532, %convert_element_type3A_553 : vector<16xi32>
      scf.yield %add3A_554 : vector<16xi32>
    }
    %scan3A_190 = arith.constant 1024 : i32
    %reduce_sum3A = arith.constant true
    %reduce_sum3A_191 = vector.broadcast %reduce_sum3A : i1 to vector<16xi1>
    %reduce_sum3A_192 = tpu.scan <sum>, %scan3A_189 masked %reduce_sum3A_191 : vector<16xi32>, vector<16xi1> -> vector<16xi32>
    %reduce_sum3A_193 = vector.extract %reduce_sum3A_192[15] : i32 from vector<16xi32>
    %while3A_194 = scf.while (%while3A_380 = %reduce_sum3A_193) : (i32) -> i32 {
      %gt3A = arith.constant 0 : i32
      %gt3A_381 = arith.cmpi sgt, %while3A_380, %gt3A : i32
      scf.condition(%gt3A_381) %while3A_380 : i32
    } do {
    ^bb0(%while3A_380: i32):
      %broadcast_in_dim3A_381 = arith.constant 0 : i32
      %broadcast_in_dim3A_382 = vector.broadcast %broadcast_in_dim3A_381 : i32 to vector<16xi32>
      %scan3A_383 = arith.constant 0 : i32
      %scan3A_384 = arith.constant 1024 : i32
      %scan3A_385 = arith.addi %scan3A_383, %scan3A_384 : i32
      %scan3A_386 = arith.constant 2 : i32
      %scan3A_387 = scf.for %scan3A_393 = %scan3A_383 to %scan3A_385 step %scan3A_386 iter_args(%scan3A_394 = %broadcast_in_dim3A_382) -> (vector<16xi32>)  : i32 {
        %mul3A_395 = arith.constant 16 : i32
        %mul3A_396 = arith.muli %scan3A_393, %mul3A_395 : i32
        %get3A = arith.index_cast %mul3A_396 : i32 to index
        %get3A_397 = tpu.vector_load %arg5[%get3A] {strides = array<i32>} : memref<16384xi32, #tpu.memory_space<vmem>>, vector<16xi32>,
        %sub3A_398 = vector.broadcast %mul3A_2 : i32 to vector<16xi32>
        %sub3A_399 = arith.subi %get3A_397, %sub3A_398 : vector<16xi32>
        %bitcast3A_400 = vector.bitcast %sub3A_399 : vector<16xi32> to vector<16xi32>
        %lt3A_401 = arith.cmpi ult, %bitcast3A_400, %bitcast3A : vector<16xi32>
        %and3A_402 = arith.constant 4095 : i32
        %and3A_403 = vector.broadcast %and3A_402 : i32 to vector<16xi32>
        %and3A_404 = arith.andi %sub3A_399, %and3A_403 : vector<16xi32>
        %mul3A_405 = arith.constant 16 : i32
        %mul3A_406 = arith.muli %scan3A_393, %mul3A_405 : i32
        %add3A_407 = vector.broadcast %mul3A_406 : i32 to vector<16xi32>
        %add3A_408 = arith.addi %add3A_407, %iota3A : vector<16xi32>
        %gather3A_409 = tpu.vector_load_idx %arg6[%and3A_404] : memref<4096xi32, #tpu.memory_space<vmem>>[vector<16xi32>], vector<16xi32>,
        %lt3A_410 = arith.cmpi slt, %gather3A_409, %add3A_408 : vector<16xi32>
        %and3A_411 = arith.andi %lt3A_401, %lt3A_410 : vector<16xi1>
        tpu.vector_store_idx %arg6[%and3A_404], %add3A_408 masked %and3A_411 : memref<4096xi32, #tpu.memory_space<vmem>>[vector<16xi32>], vector<16xi32>, vector<16xi1>
        %convert_element_type3A_412 = arith.extui %and3A_411 : vector<16xi1> to vector<16xi32>
        %add3A_413 = arith.addi %scan3A_394, %convert_element_type3A_412 : vector<16xi32>
        %scan3A_414 = arith.constant 1 : i32
        %scan3A_415 = arith.addi %scan3A_393, %scan3A_414 : i32
        %mul3A_416 = arith.constant 16 : i32
        %mul3A_417 = arith.muli %scan3A_415, %mul3A_416 : i32
        %get3A_418 = arith.index_cast %mul3A_417 : i32 to index
        %get3A_419 = tpu.vector_load %arg5[%get3A_418] {strides = array<i32>} : memref<16384xi32, #tpu.memory_space<vmem>>, vector<16xi32>,
        %sub3A_420 = vector.broadcast %mul3A_2 : i32 to vector<16xi32>
        %sub3A_421 = arith.subi %get3A_419, %sub3A_420 : vector<16xi32>
        %bitcast3A_422 = vector.bitcast %sub3A_421 : vector<16xi32> to vector<16xi32>
        %lt3A_423 = arith.cmpi ult, %bitcast3A_422, %bitcast3A : vector<16xi32>
        %and3A_424 = arith.constant 4095 : i32
        %and3A_425 = vector.broadcast %and3A_424 : i32 to vector<16xi32>
        %and3A_426 = arith.andi %sub3A_421, %and3A_425 : vector<16xi32>
        %mul3A_427 = arith.constant 16 : i32
        %mul3A_428 = arith.muli %scan3A_415, %mul3A_427 : i32
        %add3A_429 = vector.broadcast %mul3A_428 : i32 to vector<16xi32>
        %add3A_430 = arith.addi %add3A_429, %iota3A : vector<16xi32>
        %gather3A_431 = tpu.vector_load_idx %arg6[%and3A_426] : memref<4096xi32, #tpu.memory_space<vmem>>[vector<16xi32>], vector<16xi32>,
        %lt3A_432 = arith.cmpi slt, %gather3A_431, %add3A_430 : vector<16xi32>
        %and3A_433 = arith.andi %lt3A_423, %lt3A_432 : vector<16xi1>
        tpu.vector_store_idx %arg6[%and3A_426], %add3A_430 masked %and3A_433 : memref<4096xi32, #tpu.memory_space<vmem>>[vector<16xi32>], vector<16xi32>, vector<16xi1>
        %convert_element_type3A_434 = arith.extui %and3A_433 : vector<16xi1> to vector<16xi32>
        %add3A_435 = arith.addi %add3A_413, %convert_element_type3A_434 : vector<16xi32>
        scf.yield %add3A_435 : vector<16xi32>
      }
      %scan3A_388 = arith.constant 1024 : i32
      %reduce_sum3A_389 = arith.constant true
      %reduce_sum3A_390 = vector.broadcast %reduce_sum3A_389 : i1 to vector<16xi1>
      %reduce_sum3A_391 = tpu.scan <sum>, %scan3A_387 masked %reduce_sum3A_390 : vector<16xi32>, vector<16xi1> -> vector<16xi32>
      %reduce_sum3A_392 = vector.extract %reduce_sum3A_391[15] : i32 from vector<16xi32>
      scf.yield %reduce_sum3A_392 : i32
    }
    %scan3A_195 = arith.constant 0 : i32
    %scan3A_196 = arith.constant 0 : i32
    %scan3A_197 = arith.constant 256 : i32
    %scan3A_198 = arith.addi %scan3A_196, %scan3A_197 : i32
    %scan3A_199 = arith.constant 2 : i32
    %scan3A_200 = scf.for %scan3A_380 = %scan3A_196 to %scan3A_198 step %scan3A_199 iter_args(%scan3A_381 = %scan3A_195) -> (i32)  : i32 {
      %mul3A_382 = arith.constant 16 : i32
      %mul3A_383 = arith.muli %scan3A_380, %mul3A_382 : i32
      %get3A = arith.index_cast %mul3A_383 : i32 to index
      %get3A_384 = tpu.vector_load %arg6[%get3A] {strides = array<i32>} : memref<4096xi32, #tpu.memory_space<vmem>>, vector<16xi32>,
      %ge3A = arith.constant 0 : i32
      %ge3A_385 = vector.broadcast %ge3A : i32 to vector<16xi32>
      %ge3A_386 = arith.cmpi sge, %get3A_384, %ge3A_385 : vector<16xi32>
      %mul3A_387 = arith.constant 16 : i32
      %mul3A_388 = arith.muli %scan3A_380, %mul3A_387 : i32
      %add3A_389 = arith.addi %mul3A_2, %mul3A_388 : i32
      %add3A_390 = vector.broadcast %add3A_389 : i32 to vector<16xi32>
      %add3A_391 = arith.addi %add3A_390, %iota3A : vector<16xi32>
      %swap3A = arith.index_cast %scan3A_381 : i32 to index
      %swap3A_392 = tpu.vector_load %arg9[%swap3A] masked %ge3A_386 {strides = array<i32>} : memref<3232xi32, #tpu.memory_space<vmem>>, vector<16xi32>, vector<16xi1>
      tpu.vector_store %arg9[%swap3A], %get3A_384 masked %ge3A_386 {strides = array<i32>} : memref<3232xi32, #tpu.memory_space<vmem>>, vector<16xi32>, vector<16xi1>
      %swap3A_393 = arith.index_cast %scan3A_381 : i32 to index
      %swap3A_394 = tpu.vector_load %arg10[%swap3A_393] masked %ge3A_386 {strides = array<i32>} : memref<3232xi32, #tpu.memory_space<vmem>>, vector<16xi32>, vector<16xi1>
      tpu.vector_store %arg10[%swap3A_393], %add3A_391 masked %ge3A_386 {strides = array<i32>} : memref<3232xi32, #tpu.memory_space<vmem>>, vector<16xi32>, vector<16xi1>
      %all_reduce_population_count3A = tpu.all_reduce %ge3A_386 {dim = 0 : i64, kind = #tpu.reduction_kind<sum>} : vector<16xi1> -> vector<16xi32>
      %slice3A = vector.extract_strided_slice %all_reduce_population_count3A {offsets = [0], sizes = [1], strides = [1]} : vector<16xi32> to vector<1xi32>
      %squeeze3A = vector.extract %slice3A[0] : i32 from vector<1xi32>
      %add3A_395 = arith.addi %scan3A_381, %squeeze3A : i32
      %scan3A_396 = arith.constant 1 : i32
      %scan3A_397 = arith.addi %scan3A_380, %scan3A_396 : i32
      %mul3A_398 = arith.constant 16 : i32
      %mul3A_399 = arith.muli %scan3A_397, %mul3A_398 : i32
      %get3A_400 = arith.index_cast %mul3A_399 : i32 to index
      %get3A_401 = tpu.vector_load %arg6[%get3A_400] {strides = array<i32>} : memref<4096xi32, #tpu.memory_space<vmem>>, vector<16xi32>,
      %ge3A_402 = arith.constant 0 : i32
      %ge3A_403 = vector.broadcast %ge3A_402 : i32 to vector<16xi32>
      %ge3A_404 = arith.cmpi sge, %get3A_401, %ge3A_403 : vector<16xi32>
      %mul3A_405 = arith.constant 16 : i32
      %mul3A_406 = arith.muli %scan3A_397, %mul3A_405 : i32
      %add3A_407 = arith.addi %mul3A_2, %mul3A_406 : i32
      %add3A_408 = vector.broadcast %add3A_407 : i32 to vector<16xi32>
      %add3A_409 = arith.addi %add3A_408, %iota3A : vector<16xi32>
      %swap3A_410 = arith.index_cast %add3A_395 : i32 to index
      %swap3A_411 = tpu.vector_load %arg9[%swap3A_410] masked %ge3A_404 {strides = array<i32>} : memref<3232xi32, #tpu.memory_space<vmem>>, vector<16xi32>, vector<16xi1>
      tpu.vector_store %arg9[%swap3A_410], %get3A_401 masked %ge3A_404 {strides = array<i32>} : memref<3232xi32, #tpu.memory_space<vmem>>, vector<16xi32>, vector<16xi1>
      %swap3A_412 = arith.index_cast %add3A_395 : i32 to index
      %swap3A_413 = tpu.vector_load %arg10[%swap3A_412] masked %ge3A_404 {strides = array<i32>} : memref<3232xi32, #tpu.memory_space<vmem>>, vector<16xi32>, vector<16xi1>
      tpu.vector_store %arg10[%swap3A_412], %add3A_409 masked %ge3A_404 {strides = array<i32>} : memref<3232xi32, #tpu.memory_space<vmem>>, vector<16xi32>, vector<16xi1>
      %all_reduce_population_count3A_414 = tpu.all_reduce %ge3A_404 {dim = 0 : i64, kind = #tpu.reduction_kind<sum>} : vector<16xi1> -> vector<16xi32>
      %slice3A_415 = vector.extract_strided_slice %all_reduce_population_count3A_414 {offsets = [0], sizes = [1], strides = [1]} : vector<16xi32> to vector<1xi32>
      %squeeze3A_416 = vector.extract %slice3A_415[0] : i32 from vector<1xi32>
      %add3A_417 = arith.addi %add3A_395, %squeeze3A_416 : i32
      scf.yield %add3A_417 : i32
    }
    %scan3A_201 = arith.constant 256 : i32
    %broadcast_in_dim3A_202 = arith.constant 0 : i32
    %broadcast_in_dim3A_203 = vector.broadcast %broadcast_in_dim3A_202 : i32 to vector<16xi32>
    %gather3A = tpu.vector_load_idx %arg9[%broadcast_in_dim3A_203] : memref<3232xi32, #tpu.memory_space<vmem>>[vector<16xi32>], vector<16xi32>,
    %gather3A_204 = tpu.vector_load_idx %arg10[%broadcast_in_dim3A_203] : memref<3232xi32, #tpu.memory_space<vmem>>[vector<16xi32>], vector<16xi32>,
    %add3A_205 = arith.constant 127 : i32
    %add3A_206 = arith.addi %scan3A_200, %add3A_205 : i32
    %jit3A_207 = arith.constant 128 : i32
    %div3A_208 = arith.divsi %add3A_206, %jit3A_207 : i32
    %sign3A_209 = arith.constant 0 : i32
    %sign3A_210 = arith.cmpi sgt, %add3A_206, %sign3A_209 : i32
    %sign3A_211 = arith.extui %sign3A_210 : i1 to i32
    %sign3A_212 = arith.constant 0 : i32
    %sign3A_213 = arith.cmpi slt, %add3A_206, %sign3A_212 : i32
    %sign3A_214 = arith.extui %sign3A_213 : i1 to i32
    %sign3A_215 = arith.subi %sign3A_211, %sign3A_214 : i32
    %sign3A_216 = arith.constant 0 : i32
    %sign3A_217 = arith.cmpi sgt, %jit3A_207, %sign3A_216 : i32
    %sign3A_218 = arith.extui %sign3A_217 : i1 to i32
    %sign3A_219 = arith.constant 0 : i32
    %sign3A_220 = arith.cmpi slt, %jit3A_207, %sign3A_219 : i32
    %sign3A_221 = arith.extui %sign3A_220 : i1 to i32
    %sign3A_222 = arith.subi %sign3A_218, %sign3A_221 : i32
    %ne3A_223 = arith.cmpi ne, %sign3A_215, %sign3A_222 : i32
    %rem3A_224 = arith.remsi %add3A_206, %jit3A_207 : i32
    %ne3A_225 = arith.constant 0 : i32
    %ne3A_226 = arith.cmpi ne, %rem3A_224, %ne3A_225 : i32
    %and3A_227 = arith.andi %ne3A_223, %ne3A_226 : i1
    %sub3A_228 = arith.constant 1 : i32
    %sub3A_229 = arith.subi %div3A_208, %sub3A_228 : i32
    %select_n3A_230 = arith.select %and3A_227, %sub3A_229, %div3A_208 : i32
    %mul3A_231 = arith.constant 128 : i32
    %mul3A_232 = arith.muli %select_n3A_230, %mul3A_231 : i32
    %jit3A_233 = arith.constant 16 : i32
    %div3A_234 = arith.divsi %scan3A_200, %jit3A_233 : i32
    %sign3A_235 = arith.constant 0 : i32
    %sign3A_236 = arith.cmpi sgt, %scan3A_200, %sign3A_235 : i32
    %sign3A_237 = arith.extui %sign3A_236 : i1 to i32
    %sign3A_238 = arith.constant 0 : i32
    %sign3A_239 = arith.cmpi slt, %scan3A_200, %sign3A_238 : i32
    %sign3A_240 = arith.extui %sign3A_239 : i1 to i32
    %sign3A_241 = arith.subi %sign3A_237, %sign3A_240 : i32
    %sign3A_242 = arith.constant 0 : i32
    %sign3A_243 = arith.cmpi sgt, %jit3A_233, %sign3A_242 : i32
    %sign3A_244 = arith.extui %sign3A_243 : i1 to i32
    %sign3A_245 = arith.constant 0 : i32
    %sign3A_246 = arith.cmpi slt, %jit3A_233, %sign3A_245 : i32
    %sign3A_247 = arith.extui %sign3A_246 : i1 to i32
    %sign3A_248 = arith.subi %sign3A_244, %sign3A_247 : i32
    %ne3A_249 = arith.cmpi ne, %sign3A_241, %sign3A_248 : i32
    %rem3A_250 = arith.remsi %scan3A_200, %jit3A_233 : i32
    %ne3A_251 = arith.constant 0 : i32
    %ne3A_252 = arith.cmpi ne, %rem3A_250, %ne3A_251 : i32
    %and3A_253 = arith.andi %ne3A_249, %ne3A_252 : i1
    %sub3A_254 = arith.constant 1 : i32
    %sub3A_255 = arith.subi %div3A_234, %sub3A_254 : i32
    %select_n3A_256 = arith.select %and3A_253, %sub3A_255, %div3A_234 : i32
    %jit3A_257 = arith.constant 16 : i32
    %div3A_258 = arith.divsi %mul3A_232, %jit3A_257 : i32
    %sign3A_259 = arith.constant 0 : i32
    %sign3A_260 = arith.cmpi sgt, %mul3A_232, %sign3A_259 : i32
    %sign3A_261 = arith.extui %sign3A_260 : i1 to i32
    %sign3A_262 = arith.constant 0 : i32
    %sign3A_263 = arith.cmpi slt, %mul3A_232, %sign3A_262 : i32
    %sign3A_264 = arith.extui %sign3A_263 : i1 to i32
    %sign3A_265 = arith.subi %sign3A_261, %sign3A_264 : i32
    %sign3A_266 = arith.constant 0 : i32
    %sign3A_267 = arith.cmpi sgt, %jit3A_257, %sign3A_266 : i32
    %sign3A_268 = arith.extui %sign3A_267 : i1 to i32
    %sign3A_269 = arith.constant 0 : i32
    %sign3A_270 = arith.cmpi slt, %jit3A_257, %sign3A_269 : i32
    %sign3A_271 = arith.extui %sign3A_270 : i1 to i32
    %sign3A_272 = arith.subi %sign3A_268, %sign3A_271 : i32
    %ne3A_273 = arith.cmpi ne, %sign3A_265, %sign3A_272 : i32
    %rem3A_274 = arith.remsi %mul3A_232, %jit3A_257 : i32
    %ne3A_275 = arith.constant 0 : i32
    %ne3A_276 = arith.cmpi ne, %rem3A_274, %ne3A_275 : i32
    %and3A_277 = arith.andi %ne3A_273, %ne3A_276 : i1
    %sub3A_278 = arith.constant 1 : i32
    %sub3A_279 = arith.subi %div3A_258, %sub3A_278 : i32
    %select_n3A_280 = arith.select %and3A_277, %sub3A_279, %div3A_258 : i32
    %while3A_281 = arith.constant 0 : i32
    %while3A_282 = arith.subi %select_n3A_280, %select_n3A_256 : i32
    %while3A_283 = arith.addi %select_n3A_256, %while3A_282 : i32
    %while3A_284 = arith.constant 1 : i32
    %while3A_285 = arith.divsi %while3A_282, %while3A_284 : i32
    %while3A_286 = arith.muli %while3A_285, %while3A_284 : i32
    %while3A_287 = arith.addi %select_n3A_256, %while3A_286 : i32
    %while3A_288 = arith.constant 1 : i32
    scf.for %while3A_380 = %select_n3A_256 to %while3A_287 step %while3A_288  : i32 {
      %mul3A_381 = arith.constant 16 : i32
      %mul3A_382 = arith.muli %while3A_380, %mul3A_381 : i32
      %add3A_383 = vector.broadcast %mul3A_382 : i32 to vector<16xi32>
      %add3A_384 = arith.addi %add3A_383, %iota3A : vector<16xi32>
      %ge3A = vector.broadcast %scan3A_200 : i32 to vector<16xi32>
      %ge3A_385 = arith.cmpi sge, %add3A_384, %ge3A : vector<16xi32>
      %mul3A_386 = arith.constant 16 : i32
      %mul3A_387 = arith.muli %while3A_380, %mul3A_386 : i32
      %get3A = arith.index_cast %mul3A_387 : i32 to index
      %get3A_388 = tpu.vector_load %arg9[%get3A] {strides = array<i32>} : memref<3232xi32, #tpu.memory_space<vmem>>, vector<16xi32>,
      %select_n3A_389 = arith.select %ge3A_385, %gather3A, %get3A_388 : vector<16xi1>, vector<16xi32>
      %mul3A_390 = arith.constant 16 : i32
      %mul3A_391 = arith.muli %while3A_380, %mul3A_390 : i32
      %swap3A = arith.index_cast %mul3A_391 : i32 to index
      %swap3A_392 = tpu.vector_load %arg9[%swap3A] {strides = array<i32>} : memref<3232xi32, #tpu.memory_space<vmem>>, vector<16xi32>,
      tpu.vector_store %arg9[%swap3A], %select_n3A_389 {strides = array<i32>} : memref<3232xi32, #tpu.memory_space<vmem>>, vector<16xi32>,
      %mul3A_393 = arith.constant 16 : i32
      %mul3A_394 = arith.muli %while3A_380, %mul3A_393 : i32
      %get3A_395 = arith.index_cast %mul3A_394 : i32 to index
      %get3A_396 = tpu.vector_load %arg10[%get3A_395] {strides = array<i32>} : memref<3232xi32, #tpu.memory_space<vmem>>, vector<16xi32>,
      %select_n3A_397 = arith.select %ge3A_385, %gather3A_204, %get3A_396 : vector<16xi1>, vector<16xi32>
      %mul3A_398 = arith.constant 16 : i32
      %mul3A_399 = arith.muli %while3A_380, %mul3A_398 : i32
      %swap3A_400 = arith.index_cast %mul3A_399 : i32 to index
      %swap3A_401 = tpu.vector_load %arg10[%swap3A_400] {strides = array<i32>} : memref<3232xi32, #tpu.memory_space<vmem>>, vector<16xi32>,
      tpu.vector_store %arg10[%swap3A_400], %select_n3A_397 {strides = array<i32>} : memref<3232xi32, #tpu.memory_space<vmem>>, vector<16xi32>,
    }
    %while3A_289 = arith.constant 1 : i32
    scf.for %while3A_380 = %while3A_287 to %while3A_283 step %while3A_289  : i32 {
      %mul3A_381 = arith.constant 16 : i32
      %mul3A_382 = arith.muli %while3A_380, %mul3A_381 : i32
      %add3A_383 = vector.broadcast %mul3A_382 : i32 to vector<16xi32>
      %add3A_384 = arith.addi %add3A_383, %iota3A : vector<16xi32>
      %ge3A = vector.broadcast %scan3A_200 : i32 to vector<16xi32>
      %ge3A_385 = arith.cmpi sge, %add3A_384, %ge3A : vector<16xi32>
      %mul3A_386 = arith.constant 16 : i32
      %mul3A_387 = arith.muli %while3A_380, %mul3A_386 : i32
      %get3A = arith.index_cast %mul3A_387 : i32 to index
      %get3A_388 = tpu.vector_load %arg9[%get3A] {strides = array<i32>} : memref<3232xi32, #tpu.memory_space<vmem>>, vector<16xi32>,
      %select_n3A_389 = arith.select %ge3A_385, %gather3A, %get3A_388 : vector<16xi1>, vector<16xi32>
      %mul3A_390 = arith.constant 16 : i32
      %mul3A_391 = arith.muli %while3A_380, %mul3A_390 : i32
      %swap3A = arith.index_cast %mul3A_391 : i32 to index
      %swap3A_392 = tpu.vector_load %arg9[%swap3A] {strides = array<i32>} : memref<3232xi32, #tpu.memory_space<vmem>>, vector<16xi32>,
      tpu.vector_store %arg9[%swap3A], %select_n3A_389 {strides = array<i32>} : memref<3232xi32, #tpu.memory_space<vmem>>, vector<16xi32>,
      %mul3A_393 = arith.constant 16 : i32
      %mul3A_394 = arith.muli %while3A_380, %mul3A_393 : i32
      %get3A_395 = arith.index_cast %mul3A_394 : i32 to index
      %get3A_396 = tpu.vector_load %arg10[%get3A_395] {strides = array<i32>} : memref<3232xi32, #tpu.memory_space<vmem>>, vector<16xi32>,
      %select_n3A_397 = arith.select %ge3A_385, %gather3A_204, %get3A_396 : vector<16xi1>, vector<16xi32>
      %mul3A_398 = arith.constant 16 : i32
      %mul3A_399 = arith.muli %while3A_380, %mul3A_398 : i32
      %swap3A_400 = arith.index_cast %mul3A_399 : i32 to index
      %swap3A_401 = tpu.vector_load %arg10[%swap3A_400] {strides = array<i32>} : memref<3232xi32, #tpu.memory_space<vmem>>, vector<16xi32>,
      tpu.vector_store %arg10[%swap3A_400], %select_n3A_397 {strides = array<i32>} : memref<3232xi32, #tpu.memory_space<vmem>>, vector<16xi32>,
    }
    %jit3A_290 = arith.constant 16 : i32
    %div3A_291 = arith.divsi %mul3A_232, %jit3A_290 : i32
    %sign3A_292 = arith.constant 0 : i32
    %sign3A_293 = arith.cmpi sgt, %mul3A_232, %sign3A_292 : i32
    %sign3A_294 = arith.extui %sign3A_293 : i1 to i32
    %sign3A_295 = arith.constant 0 : i32
    %sign3A_296 = arith.cmpi slt, %mul3A_232, %sign3A_295 : i32
    %sign3A_297 = arith.extui %sign3A_296 : i1 to i32
    %sign3A_298 = arith.subi %sign3A_294, %sign3A_297 : i32
    %sign3A_299 = arith.constant 0 : i32
    %sign3A_300 = arith.cmpi sgt, %jit3A_290, %sign3A_299 : i32
    %sign3A_301 = arith.extui %sign3A_300 : i1 to i32
    %sign3A_302 = arith.constant 0 : i32
    %sign3A_303 = arith.cmpi slt, %jit3A_290, %sign3A_302 : i32
    %sign3A_304 = arith.extui %sign3A_303 : i1 to i32
    %sign3A_305 = arith.subi %sign3A_301, %sign3A_304 : i32
    %ne3A_306 = arith.cmpi ne, %sign3A_298, %sign3A_305 : i32
    %rem3A_307 = arith.remsi %mul3A_232, %jit3A_290 : i32
    %ne3A_308 = arith.constant 0 : i32
    %ne3A_309 = arith.cmpi ne, %rem3A_307, %ne3A_308 : i32
    %and3A_310 = arith.andi %ne3A_306, %ne3A_309 : i1
    %sub3A_311 = arith.constant 1 : i32
    %sub3A_312 = arith.subi %div3A_291, %sub3A_311 : i32
    %select_n3A_313 = arith.select %and3A_310, %sub3A_312, %div3A_291 : i32
    %while3A_314 = arith.constant 0 : i32
    %while3A_315 = arith.constant 0 : i32
    %while3A_316 = arith.subi %select_n3A_313, %while3A_315 : i32
    %while3A_317 = arith.addi %while3A_315, %while3A_316 : i32
    %while3A_318 = arith.constant 1 : i32
    %while3A_319 = arith.divsi %while3A_316, %while3A_318 : i32
    %while3A_320 = arith.muli %while3A_319, %while3A_318 : i32
    %while3A_321 = arith.addi %while3A_315, %while3A_320 : i32
    %while3A_322 = arith.constant 1 : i32
    scf.for %while3A_380 = %while3A_315 to %while3A_321 step %while3A_322  : i32 {
      %jit3A_381 = arith.constant 8 : i32
      %div3A_382 = arith.divsi %while3A_380, %jit3A_381 : i32
      %sign3A_383 = arith.constant 0 : i32
      %sign3A_384 = arith.cmpi sgt, %while3A_380, %sign3A_383 : i32
      %sign3A_385 = arith.extui %sign3A_384 : i1 to i32
      %sign3A_386 = arith.constant 0 : i32
      %sign3A_387 = arith.cmpi slt, %while3A_380, %sign3A_386 : i32
      %sign3A_388 = arith.extui %sign3A_387 : i1 to i32
      %sign3A_389 = arith.subi %sign3A_385, %sign3A_388 : i32
      %sign3A_390 = arith.constant 0 : i32
      %sign3A_391 = arith.cmpi sgt, %jit3A_381, %sign3A_390 : i32
      %sign3A_392 = arith.extui %sign3A_391 : i1 to i32
      %sign3A_393 = arith.constant 0 : i32
      %sign3A_394 = arith.cmpi slt, %jit3A_381, %sign3A_393 : i32
      %sign3A_395 = arith.extui %sign3A_394 : i1 to i32
      %sign3A_396 = arith.subi %sign3A_392, %sign3A_395 : i32
      %ne3A_397 = arith.cmpi ne, %sign3A_389, %sign3A_396 : i32
      %rem3A_398 = arith.remsi %while3A_380, %jit3A_381 : i32
      %ne3A_399 = arith.constant 0 : i32
      %ne3A_400 = arith.cmpi ne, %rem3A_398, %ne3A_399 : i32
      %and3A_401 = arith.andi %ne3A_397, %ne3A_400 : i1
      %sub3A_402 = arith.constant 1 : i32
      %sub3A_403 = arith.subi %div3A_382, %sub3A_402 : i32
      %select_n3A_404 = arith.select %and3A_401, %sub3A_403, %div3A_382 : i32
      %mul3A_405 = arith.constant 8 : i32
      %mul3A_406 = arith.muli %select_n3A_404, %mul3A_405 : i32
      %sub3A_407 = arith.subi %while3A_380, %mul3A_406 : i32
      %mul3A_408 = arith.constant 16 : i32
      %mul3A_409 = arith.muli %while3A_380, %mul3A_408 : i32
      %get3A = arith.index_cast %mul3A_409 : i32 to index
      %get3A_410 = tpu.vector_load %arg9[%get3A] {strides = array<i32>} : memref<3232xi32, #tpu.memory_space<vmem>>, vector<16xi32>,
      %mul3A_411 = arith.constant 16 : i32
      %mul3A_412 = arith.muli %sub3A_407, %mul3A_411 : i32
      %swap3A = arith.index_cast %select_n3A_404 : i32 to index
      %swap3A_413 = arith.index_cast %mul3A_412 : i32 to index
      %swap3A_414 = tpu.vector_load %arg11[%swap3A, %swap3A_413] {strides = array<i32>} : memref<25x128xi32, #tpu.memory_space<vmem>>, vector<16xi32>,
      tpu.vector_store %arg11[%swap3A, %swap3A_413], %get3A_410 {strides = array<i32>} : memref<25x128xi32, #tpu.memory_space<vmem>>, vector<16xi32>,
      %mul3A_415 = arith.constant 16 : i32
      %mul3A_416 = arith.muli %while3A_380, %mul3A_415 : i32
      %get3A_417 = arith.index_cast %mul3A_416 : i32 to index
      %get3A_418 = tpu.vector_load %arg10[%get3A_417] {strides = array<i32>} : memref<3232xi32, #tpu.memory_space<vmem>>, vector<16xi32>,
      %mul3A_419 = arith.constant 16 : i32
      %mul3A_420 = arith.muli %sub3A_407, %mul3A_419 : i32
      %swap3A_421 = arith.index_cast %select_n3A_404 : i32 to index
      %swap3A_422 = arith.index_cast %mul3A_420 : i32 to index
      %swap3A_423 = tpu.vector_load %arg12[%swap3A_421, %swap3A_422] {strides = array<i32>} : memref<25x128xi32, #tpu.memory_space<vmem>>, vector<16xi32>,
      tpu.vector_store %arg12[%swap3A_421, %swap3A_422], %get3A_418 {strides = array<i32>} : memref<25x128xi32, #tpu.memory_space<vmem>>, vector<16xi32>,
    }
    %while3A_323 = arith.constant 1 : i32
    scf.for %while3A_380 = %while3A_321 to %while3A_317 step %while3A_323  : i32 {
      %jit3A_381 = arith.constant 8 : i32
      %div3A_382 = arith.divsi %while3A_380, %jit3A_381 : i32
      %sign3A_383 = arith.constant 0 : i32
      %sign3A_384 = arith.cmpi sgt, %while3A_380, %sign3A_383 : i32
      %sign3A_385 = arith.extui %sign3A_384 : i1 to i32
      %sign3A_386 = arith.constant 0 : i32
      %sign3A_387 = arith.cmpi slt, %while3A_380, %sign3A_386 : i32
      %sign3A_388 = arith.extui %sign3A_387 : i1 to i32
      %sign3A_389 = arith.subi %sign3A_385, %sign3A_388 : i32
      %sign3A_390 = arith.constant 0 : i32
      %sign3A_391 = arith.cmpi sgt, %jit3A_381, %sign3A_390 : i32
      %sign3A_392 = arith.extui %sign3A_391 : i1 to i32
      %sign3A_393 = arith.constant 0 : i32
      %sign3A_394 = arith.cmpi slt, %jit3A_381, %sign3A_393 : i32
      %sign3A_395 = arith.extui %sign3A_394 : i1 to i32
      %sign3A_396 = arith.subi %sign3A_392, %sign3A_395 : i32
      %ne3A_397 = arith.cmpi ne, %sign3A_389, %sign3A_396 : i32
      %rem3A_398 = arith.remsi %while3A_380, %jit3A_381 : i32
      %ne3A_399 = arith.constant 0 : i32
      %ne3A_400 = arith.cmpi ne, %rem3A_398, %ne3A_399 : i32
      %and3A_401 = arith.andi %ne3A_397, %ne3A_400 : i1
      %sub3A_402 = arith.constant 1 : i32
      %sub3A_403 = arith.subi %div3A_382, %sub3A_402 : i32
      %select_n3A_404 = arith.select %and3A_401, %sub3A_403, %div3A_382 : i32
      %mul3A_405 = arith.constant 8 : i32
      %mul3A_406 = arith.muli %select_n3A_404, %mul3A_405 : i32
      %sub3A_407 = arith.subi %while3A_380, %mul3A_406 : i32
      %mul3A_408 = arith.constant 16 : i32
      %mul3A_409 = arith.muli %while3A_380, %mul3A_408 : i32
      %get3A = arith.index_cast %mul3A_409 : i32 to index
      %get3A_410 = tpu.vector_load %arg9[%get3A] {strides = array<i32>} : memref<3232xi32, #tpu.memory_space<vmem>>, vector<16xi32>,
      %mul3A_411 = arith.constant 16 : i32
      %mul3A_412 = arith.muli %sub3A_407, %mul3A_411 : i32
      %swap3A = arith.index_cast %select_n3A_404 : i32 to index
      %swap3A_413 = arith.index_cast %mul3A_412 : i32 to index
      %swap3A_414 = tpu.vector_load %arg11[%swap3A, %swap3A_413] {strides = array<i32>} : memref<25x128xi32, #tpu.memory_space<vmem>>, vector<16xi32>,
      tpu.vector_store %arg11[%swap3A, %swap3A_413], %get3A_410 {strides = array<i32>} : memref<25x128xi32, #tpu.memory_space<vmem>>, vector<16xi32>,
      %mul3A_415 = arith.constant 16 : i32
      %mul3A_416 = arith.muli %while3A_380, %mul3A_415 : i32
      %get3A_417 = arith.index_cast %mul3A_416 : i32 to index
      %get3A_418 = tpu.vector_load %arg10[%get3A_417] {strides = array<i32>} : memref<3232xi32, #tpu.memory_space<vmem>>, vector<16xi32>,
      %mul3A_419 = arith.constant 16 : i32
      %mul3A_420 = arith.muli %sub3A_407, %mul3A_419 : i32
      %swap3A_421 = arith.index_cast %select_n3A_404 : i32 to index
      %swap3A_422 = arith.index_cast %mul3A_420 : i32 to index
      %swap3A_423 = tpu.vector_load %arg12[%swap3A_421, %swap3A_422] {strides = array<i32>} : memref<25x128xi32, #tpu.memory_space<vmem>>, vector<16xi32>,
      tpu.vector_store %arg12[%swap3A_421, %swap3A_422], %get3A_418 {strides = array<i32>} : memref<25x128xi32, #tpu.memory_space<vmem>>, vector<16xi32>,
    }
    %while3A_324 = arith.constant 0 : i32
    %while3A_325 = arith.constant 0 : i32
    %while3A_326 = arith.subi %select_n3A_161, %while3A_325 : i32
    %while3A_327 = arith.addi %while3A_325, %while3A_326 : i32
    %while3A_328 = arith.constant 1 : i32
    %while3A_329 = arith.divsi %while3A_326, %while3A_328 : i32
    %while3A_330 = arith.muli %while3A_329, %while3A_328 : i32
    %while3A_331 = arith.addi %while3A_325, %while3A_330 : i32
    %while3A_332 = arith.constant 1 : i32
    scf.for %while3A_380 = %while3A_325 to %while3A_331 step %while3A_332  : i32 {
      %dma_wait3A_381 = arith.constant 0 : i32
      %dma_wait3A_382 = tpu.memref_slice %arg4[%mul3A_2, %dma_wait3A_381] : memref<100000x128xf32, #tpu.memory_space<hbm>> -> memref<128x128xf32, #tpu.memory_space<hbm>>
      %dma_wait3A_383 = arith.constant 0 : i32
      %dma_wait3A_384 = tpu.memref_slice %arg4[%mul3A_2, %dma_wait3A_383] : memref<100000x128xf32, #tpu.memory_space<hbm>> -> memref<128x128xf32, #tpu.memory_space<hbm>>
      tpu.wait_dma2 semaphore(%arg13 : memref<!tpu.dma_semaphore, #tpu.memory_space<semaphore_mem>>) src(%dma_wait3A_384 : memref<128x128xf32, #tpu.memory_space<hbm>>) dst(%arg7 : memref<128x128xf32, #tpu.memory_space<vmem>>)
    }
    %while3A_333 = arith.constant 1 : i32
    scf.for %while3A_380 = %while3A_331 to %while3A_327 step %while3A_333  : i32 {
      %dma_wait3A_381 = arith.constant 0 : i32
      %dma_wait3A_382 = tpu.memref_slice %arg4[%mul3A_2, %dma_wait3A_381] : memref<100000x128xf32, #tpu.memory_space<hbm>> -> memref<128x128xf32, #tpu.memory_space<hbm>>
      %dma_wait3A_383 = arith.constant 0 : i32
      %dma_wait3A_384 = tpu.memref_slice %arg4[%mul3A_2, %dma_wait3A_383] : memref<100000x128xf32, #tpu.memory_space<hbm>> -> memref<128x128xf32, #tpu.memory_space<hbm>>
      tpu.wait_dma2 semaphore(%arg13 : memref<!tpu.dma_semaphore, #tpu.memory_space<semaphore_mem>>) src(%dma_wait3A_384 : memref<128x128xf32, #tpu.memory_space<hbm>>) dst(%arg7 : memref<128x128xf32, #tpu.memory_space<vmem>>)
    }
    %eq3A_334 = arith.constant 31 : i32
    %eq3A_335 = arith.cmpi eq, %add3A, %eq3A_334 : i32
    %convert_element_type3A_336 = arith.extui %eq3A_335 : i1 to i32
    %cond3A_337 = arith.constant 0 : i32
    %cond3A_338 = arith.cmpi ne, %convert_element_type3A_336, %cond3A_337 : i32
    scf.if %cond3A_338 {
      %dma_wait3A_380 = arith.constant 0 : i32
      %dma_wait3A_381 = arith.constant 0 : i32
      %dma_wait3A_382 = tpu.memref_slice %arg7[%dma_wait3A_380, %dma_wait3A_381] : memref<128x128xf32, #tpu.memory_space<vmem>> -> memref<32x128xf32, #tpu.memory_space<vmem>>
      %dma_wait3A_383 = arith.constant 0 : i32
      %dma_wait3A_384 = tpu.memref_slice %arg4[%mul3A_2, %dma_wait3A_383] : memref<100000x128xf32, #tpu.memory_space<hbm>> -> memref<32x128xf32, #tpu.memory_space<hbm>>
      %dma_wait3A_385 = arith.constant 0 : i32
      %dma_wait3A_386 = arith.constant 0 : i32
      %dma_wait3A_387 = tpu.memref_slice %arg7[%dma_wait3A_385, %dma_wait3A_386] : memref<128x128xf32, #tpu.memory_space<vmem>> -> memref<32x128xf32, #tpu.memory_space<vmem>>
      %dma_wait3A_388 = arith.constant 0 : i32
      %dma_wait3A_389 = tpu.memref_slice %arg4[%mul3A_2, %dma_wait3A_388] : memref<100000x128xf32, #tpu.memory_space<hbm>> -> memref<32x128xf32, #tpu.memory_space<hbm>>
      tpu.wait_dma2 semaphore(%arg13 : memref<!tpu.dma_semaphore, #tpu.memory_space<semaphore_mem>>) src(%dma_wait3A_389 : memref<32x128xf32, #tpu.memory_space<hbm>>) dst(%dma_wait3A_387 : memref<32x128xf32, #tpu.memory_space<vmem>>)
    } else {
    }
    %jit3A_339 = arith.constant 128 : i32
    %div3A_340 = arith.divsi %mul3A_232, %jit3A_339 : i32
    %sign3A_341 = arith.constant 0 : i32
    %sign3A_342 = arith.cmpi sgt, %mul3A_232, %sign3A_341 : i32
    %sign3A_343 = arith.extui %sign3A_342 : i1 to i32
    %sign3A_344 = arith.constant 0 : i32
    %sign3A_345 = arith.cmpi slt, %mul3A_232, %sign3A_344 : i32
    %sign3A_346 = arith.extui %sign3A_345 : i1 to i32
    %sign3A_347 = arith.subi %sign3A_343, %sign3A_346 : i32
    %sign3A_348 = arith.constant 0 : i32
    %sign3A_349 = arith.cmpi sgt, %jit3A_339, %sign3A_348 : i32
    %sign3A_350 = arith.extui %sign3A_349 : i1 to i32
    %sign3A_351 = arith.constant 0 : i32
    %sign3A_352 = arith.cmpi slt, %jit3A_339, %sign3A_351 : i32
    %sign3A_353 = arith.extui %sign3A_352 : i1 to i32
    %sign3A_354 = arith.subi %sign3A_350, %sign3A_353 : i32
    %ne3A_355 = arith.cmpi ne, %sign3A_347, %sign3A_354 : i32
    %rem3A_356 = arith.remsi %mul3A_232, %jit3A_339 : i32
    %ne3A_357 = arith.constant 0 : i32
    %ne3A_358 = arith.cmpi ne, %rem3A_356, %ne3A_357 : i32
    %and3A_359 = arith.andi %ne3A_355, %ne3A_358 : i1
    %sub3A_360 = arith.constant 1 : i32
    %sub3A_361 = arith.subi %div3A_340, %sub3A_360 : i32
    %select_n3A_362 = arith.select %and3A_359, %sub3A_361, %div3A_340 : i32
    %dma_start3A_363 = arith.constant 0 : i32
    %dma_start3A_364 = arith.constant 0 : i32
    %dma_start3A_365 = tpu.memref_slice %arg11[%dma_start3A_363, %dma_start3A_364] : memref<25x128xi32, #tpu.memory_space<vmem>> -> memref<1x128xi32, #tpu.memory_space<vmem>>
    %dma_start3A_366 = tpu.memref_squeeze %dma_start3A_365 : memref<1x128xi32, #tpu.memory_space<vmem>> -> memref<128xi32, #tpu.memory_space<vmem>>
    %dma_start3A_367 = arith.constant 0 : i32
    %dma_start3A_368 = arith.constant 0 : i32
    %dma_start3A_369 = tpu.memref_slice %arg3[%dma_start3A_367, %dma_start3A_368] : memref<16384x128xf32, #tpu.memory_space<hbm>> -> memref<16384x128xf32, #tpu.memory_space<hbm>>
    tpu.enqueue_indirect_dma source(%dma_start3A_369 : memref<16384x128xf32, #tpu.memory_space<hbm>>) target(%arg7 : memref<128x128xf32, #tpu.memory_space<vmem>>) offsets(%dma_start3A_366 : memref<128xi32, #tpu.memory_space<vmem>>) semaphore(%arg14 : memref<!tpu.dma_semaphore, #tpu.memory_space<semaphore_mem>>)
    %while3A_370 = arith.constant 0 : i32
    %while3A_371 = arith.constant 0 : i32
    %while3A_372 = arith.subi %select_n3A_362, %while3A_371 : i32
    %while3A_373 = arith.addi %while3A_371, %while3A_372 : i32
    %while3A_374 = arith.constant 1 : i32
    %while3A_375 = arith.divsi %while3A_372, %while3A_374 : i32
    %while3A_376 = arith.muli %while3A_375, %while3A_374 : i32
    %while3A_377 = arith.addi %while3A_371, %while3A_376 : i32
    %while3A_378 = arith.constant 1 : i32
    scf.for %while3A_380 = %while3A_371 to %while3A_377 step %while3A_378  : i32 {
      %jit3A_381 = arith.constant 2 : i32
      %eq3A_382 = arith.constant 0 : i32
      %eq3A_383 = arith.cmpi eq, %jit3A_381, %eq3A_382 : i32
      %jit3A_384 = arith.constant 1 : i32
      %select_n3A_385 = arith.select %eq3A_383, %jit3A_384, %jit3A_381 : i32
      %rem3A_386 = arith.remsi %while3A_380, %select_n3A_385 : i32
      %ne3A_387 = arith.constant 0 : i32
      %ne3A_388 = arith.cmpi ne, %rem3A_386, %ne3A_387 : i32
      %lt3A_389 = arith.constant 0 : i32
      %lt3A_390 = arith.cmpi slt, %rem3A_386, %lt3A_389 : i32
      %lt3A_391 = arith.constant 0 : i32
      %lt3A_392 = arith.cmpi slt, %select_n3A_385, %lt3A_391 : i32
      %ne3A_393 = arith.xori %lt3A_390, %lt3A_392 : i1
      %and3A_394 = arith.andi %ne3A_393, %ne3A_388 : i1
      %add3A_395 = arith.addi %rem3A_386, %select_n3A_385 : i32
      %select_n3A_396 = arith.select %and3A_394, %add3A_395, %rem3A_386 : i32
      %eq3A_397 = arith.constant 0 : i32
      %eq3A_398 = arith.cmpi eq, %select_n3A_396, %eq3A_397 : i32
      %convert_element_type3A_399 = arith.extui %eq3A_398 : i1 to i32
      %cond3A_400 = arith.constant 0 : i32
      %cond3A_401 = arith.cmpi ne, %convert_element_type3A_399, %cond3A_400 : i32
      scf.if %cond3A_401 {
        %dma_wait3A_423 = arith.constant 0 : i32
        %dma_wait3A_424 = tpu.memref_slice %arg11[%while3A_380, %dma_wait3A_423] : memref<25x128xi32, #tpu.memory_space<vmem>> -> memref<1x128xi32, #tpu.memory_space<vmem>>
        %dma_wait3A_425 = tpu.memref_squeeze %dma_wait3A_424 : memref<1x128xi32, #tpu.memory_space<vmem>> -> memref<128xi32, #tpu.memory_space<vmem>>
        %dma_wait3A_426 = arith.constant 0 : i32
        %dma_wait3A_427 = arith.constant 0 : i32
        %dma_wait3A_428 = tpu.memref_slice %arg3[%dma_wait3A_426, %dma_wait3A_427] : memref<16384x128xf32, #tpu.memory_space<hbm>> -> memref<16384x128xf32, #tpu.memory_space<hbm>>
        tpu.wait_indirect_dma semaphore(%arg14 : memref<!tpu.dma_semaphore, #tpu.memory_space<semaphore_mem>>) src(%dma_wait3A_428 : memref<16384x128xf32, #tpu.memory_space<hbm>>) dst(%arg7 : memref<128x128xf32, #tpu.memory_space<vmem>>)
        %add3A_429 = arith.constant 1 : i32
        %add3A_430 = arith.addi %while3A_380, %add3A_429 : i32
        %lt3A_431 = arith.cmpi slt, %add3A_430, %select_n3A_362 : i32
        %convert_element_type3A_432 = arith.extui %lt3A_431 : i1 to i32
        %cond3A_433 = arith.constant 0 : i32
        %cond3A_434 = arith.cmpi ne, %convert_element_type3A_432, %cond3A_433 : i32
        scf.if %cond3A_434 {
          %add3A_447 = arith.constant 1 : i32
          %add3A_448 = arith.addi %while3A_380, %add3A_447 : i32
          %dma_start3A_449 = arith.constant 0 : i32
          %dma_start3A_450 = tpu.memref_slice %arg11[%add3A_448, %dma_start3A_449] : memref<25x128xi32, #tpu.memory_space<vmem>> -> memref<1x128xi32, #tpu.memory_space<vmem>>
          %dma_start3A_451 = tpu.memref_squeeze %dma_start3A_450 : memref<1x128xi32, #tpu.memory_space<vmem>> -> memref<128xi32, #tpu.memory_space<vmem>>
          %dma_start3A_452 = arith.constant 0 : i32
          %dma_start3A_453 = arith.constant 0 : i32
          %dma_start3A_454 = tpu.memref_slice %arg3[%dma_start3A_452, %dma_start3A_453] : memref<16384x128xf32, #tpu.memory_space<hbm>> -> memref<16384x128xf32, #tpu.memory_space<hbm>>
          tpu.enqueue_indirect_dma source(%dma_start3A_454 : memref<16384x128xf32, #tpu.memory_space<hbm>>) target(%arg8 : memref<128x128xf32, #tpu.memory_space<vmem>>) offsets(%dma_start3A_451 : memref<128xi32, #tpu.memory_space<vmem>>) semaphore(%arg14 : memref<!tpu.dma_semaphore, #tpu.memory_space<semaphore_mem>>)
        } else {
        }
        %dma_start3A_435 = arith.constant 0 : i32
        %dma_start3A_436 = tpu.memref_slice %arg12[%while3A_380, %dma_start3A_435] : memref<25x128xi32, #tpu.memory_space<vmem>> -> memref<1x128xi32, #tpu.memory_space<vmem>>
        %dma_start3A_437 = tpu.memref_squeeze %dma_start3A_436 : memref<1x128xi32, #tpu.memory_space<vmem>> -> memref<128xi32, #tpu.memory_space<vmem>>
        %dma_start3A_438 = arith.constant 0 : i32
        %dma_start3A_439 = arith.constant 0 : i32
        %dma_start3A_440 = tpu.memref_slice %arg4[%dma_start3A_438, %dma_start3A_439] : memref<100000x128xf32, #tpu.memory_space<hbm>> -> memref<100000x128xf32, #tpu.memory_space<hbm>>
        tpu.enqueue_indirect_dma source(%arg7 : memref<128x128xf32, #tpu.memory_space<vmem>>) target(%dma_start3A_440 : memref<100000x128xf32, #tpu.memory_space<hbm>>) offsets(%dma_start3A_437 : memref<128xi32, #tpu.memory_space<vmem>>) semaphore(%arg15 : memref<!tpu.dma_semaphore, #tpu.memory_space<semaphore_mem>>)
        %dma_wait3A_441 = arith.constant 0 : i32
        %dma_wait3A_442 = tpu.memref_slice %arg12[%while3A_380, %dma_wait3A_441] : memref<25x128xi32, #tpu.memory_space<vmem>> -> memref<1x128xi32, #tpu.memory_space<vmem>>
        %dma_wait3A_443 = tpu.memref_squeeze %dma_wait3A_442 : memref<1x128xi32, #tpu.memory_space<vmem>> -> memref<128xi32, #tpu.memory_space<vmem>>
        %dma_wait3A_444 = arith.constant 0 : i32
        %dma_wait3A_445 = arith.constant 0 : i32
        %dma_wait3A_446 = tpu.memref_slice %arg4[%dma_wait3A_444, %dma_wait3A_445] : memref<100000x128xf32, #tpu.memory_space<hbm>> -> memref<100000x128xf32, #tpu.memory_space<hbm>>
        tpu.wait_indirect_dma semaphore(%arg15 : memref<!tpu.dma_semaphore, #tpu.memory_space<semaphore_mem>>) src(%arg7 : memref<128x128xf32, #tpu.memory_space<vmem>>) dst(%dma_wait3A_446 : memref<100000x128xf32, #tpu.memory_space<hbm>>)
      } else {
      }
      %jit3A_402 = arith.constant 2 : i32
      %eq3A_403 = arith.constant 0 : i32
      %eq3A_404 = arith.cmpi eq, %jit3A_402, %eq3A_403 : i32
      %jit3A_405 = arith.constant 1 : i32
      %select_n3A_406 = arith.select %eq3A_404, %jit3A_405, %jit3A_402 : i32
      %rem3A_407 = arith.remsi %while3A_380, %select_n3A_406 : i32
      %ne3A_408 = arith.constant 0 : i32
      %ne3A_409 = arith.cmpi ne, %rem3A_407, %ne3A_408 : i32
      %lt3A_410 = arith.constant 0 : i32
      %lt3A_411 = arith.cmpi slt, %rem3A_407, %lt3A_410 : i32
      %lt3A_412 = arith.constant 0 : i32
      %lt3A_413 = arith.cmpi slt, %select_n3A_406, %lt3A_412 : i32
      %ne3A_414 = arith.xori %lt3A_411, %lt3A_413 : i1
      %and3A_415 = arith.andi %ne3A_414, %ne3A_409 : i1
      %add3A_416 = arith.addi %rem3A_407, %select_n3A_406 : i32
      %select_n3A_417 = arith.select %and3A_415, %add3A_416, %rem3A_407 : i32
      %eq3A_418 = arith.constant 1 : i32
      %eq3A_419 = arith.cmpi eq, %select_n3A_417, %eq3A_418 : i32
      %convert_element_type3A_420 = arith.extui %eq3A_419 : i1 to i32
      %cond3A_421 = arith.constant 0 : i32
      %cond3A_422 = arith.cmpi ne, %convert_element_type3A_420, %cond3A_421 : i32
      scf.if %cond3A_422 {
        %dma_wait3A_423 = arith.constant 0 : i32
        %dma_wait3A_424 = tpu.memref_slice %arg11[%while3A_380, %dma_wait3A_423] : memref<25x128xi32, #tpu.memory_space<vmem>> -> memref<1x128xi32, #tpu.memory_space<vmem>>
        %dma_wait3A_425 = tpu.memref_squeeze %dma_wait3A_424 : memref<1x128xi32, #tpu.memory_space<vmem>> -> memref<128xi32, #tpu.memory_space<vmem>>
        %dma_wait3A_426 = arith.constant 0 : i32
        %dma_wait3A_427 = arith.constant 0 : i32
        %dma_wait3A_428 = tpu.memref_slice %arg3[%dma_wait3A_426, %dma_wait3A_427] : memref<16384x128xf32, #tpu.memory_space<hbm>> -> memref<16384x128xf32, #tpu.memory_space<hbm>>
        tpu.wait_indirect_dma semaphore(%arg14 : memref<!tpu.dma_semaphore, #tpu.memory_space<semaphore_mem>>) src(%dma_wait3A_428 : memref<16384x128xf32, #tpu.memory_space<hbm>>) dst(%arg8 : memref<128x128xf32, #tpu.memory_space<vmem>>)
        %add3A_429 = arith.constant 1 : i32
        %add3A_430 = arith.addi %while3A_380, %add3A_429 : i32
        %lt3A_431 = arith.cmpi slt, %add3A_430, %select_n3A_362 : i32
        %convert_element_type3A_432 = arith.extui %lt3A_431 : i1 to i32
        %cond3A_433 = arith.constant 0 : i32
        %cond3A_434 = arith.cmpi ne, %convert_element_type3A_432, %cond3A_433 : i32
        scf.if %cond3A_434 {
          %add3A_447 = arith.constant 1 : i32
          %add3A_448 = arith.addi %while3A_380, %add3A_447 : i32
          %dma_start3A_449 = arith.constant 0 : i32
          %dma_start3A_450 = tpu.memref_slice %arg11[%add3A_448, %dma_start3A_449] : memref<25x128xi32, #tpu.memory_space<vmem>> -> memref<1x128xi32, #tpu.memory_space<vmem>>
          %dma_start3A_451 = tpu.memref_squeeze %dma_start3A_450 : memref<1x128xi32, #tpu.memory_space<vmem>> -> memref<128xi32, #tpu.memory_space<vmem>>
          %dma_start3A_452 = arith.constant 0 : i32
          %dma_start3A_453 = arith.constant 0 : i32
          %dma_start3A_454 = tpu.memref_slice %arg3[%dma_start3A_452, %dma_start3A_453] : memref<16384x128xf32, #tpu.memory_space<hbm>> -> memref<16384x128xf32, #tpu.memory_space<hbm>>
          tpu.enqueue_indirect_dma source(%dma_start3A_454 : memref<16384x128xf32, #tpu.memory_space<hbm>>) target(%arg7 : memref<128x128xf32, #tpu.memory_space<vmem>>) offsets(%dma_start3A_451 : memref<128xi32, #tpu.memory_space<vmem>>) semaphore(%arg14 : memref<!tpu.dma_semaphore, #tpu.memory_space<semaphore_mem>>)
        } else {
        }
        %dma_start3A_435 = arith.constant 0 : i32
        %dma_start3A_436 = tpu.memref_slice %arg12[%while3A_380, %dma_start3A_435] : memref<25x128xi32, #tpu.memory_space<vmem>> -> memref<1x128xi32, #tpu.memory_space<vmem>>
        %dma_start3A_437 = tpu.memref_squeeze %dma_start3A_436 : memref<1x128xi32, #tpu.memory_space<vmem>> -> memref<128xi32, #tpu.memory_space<vmem>>
        %dma_start3A_438 = arith.constant 0 : i32
        %dma_start3A_439 = arith.constant 0 : i32
        %dma_start3A_440 = tpu.memref_slice %arg4[%dma_start3A_438, %dma_start3A_439] : memref<100000x128xf32, #tpu.memory_space<hbm>> -> memref<100000x128xf32, #tpu.memory_space<hbm>>
        tpu.enqueue_indirect_dma source(%arg8 : memref<128x128xf32, #tpu.memory_space<vmem>>) target(%dma_start3A_440 : memref<100000x128xf32, #tpu.memory_space<hbm>>) offsets(%dma_start3A_437 : memref<128xi32, #tpu.memory_space<vmem>>) semaphore(%arg15 : memref<!tpu.dma_semaphore, #tpu.memory_space<semaphore_mem>>)
        %dma_wait3A_441 = arith.constant 0 : i32
        %dma_wait3A_442 = tpu.memref_slice %arg12[%while3A_380, %dma_wait3A_441] : memref<25x128xi32, #tpu.memory_space<vmem>> -> memref<1x128xi32, #tpu.memory_space<vmem>>
        %dma_wait3A_443 = tpu.memref_squeeze %dma_wait3A_442 : memref<1x128xi32, #tpu.memory_space<vmem>> -> memref<128xi32, #tpu.memory_space<vmem>>
        %dma_wait3A_444 = arith.constant 0 : i32
        %dma_wait3A_445 = arith.constant 0 : i32
        %dma_wait3A_446 = tpu.memref_slice %arg4[%dma_wait3A_444, %dma_wait3A_445] : memref<100000x128xf32, #tpu.memory_space<hbm>> -> memref<100000x128xf32, #tpu.memory_space<hbm>>
        tpu.wait_indirect_dma semaphore(%arg15 : memref<!tpu.dma_semaphore, #tpu.memory_space<semaphore_mem>>) src(%arg8 : memref<128x128xf32, #tpu.memory_space<vmem>>) dst(%dma_wait3A_446 : memref<100000x128xf32, #tpu.memory_space<hbm>>)
      } else {
      }
    }
    %while3A_379 = arith.constant 1 : i32
    scf.for %while3A_380 = %while3A_377 to %while3A_373 step %while3A_379  : i32 {
      %jit3A_381 = arith.constant 2 : i32
      %eq3A_382 = arith.constant 0 : i32
      %eq3A_383 = arith.cmpi eq, %jit3A_381, %eq3A_382 : i32
      %jit3A_384 = arith.constant 1 : i32
      %select_n3A_385 = arith.select %eq3A_383, %jit3A_384, %jit3A_381 : i32
      %rem3A_386 = arith.remsi %while3A_380, %select_n3A_385 : i32
      %ne3A_387 = arith.constant 0 : i32
      %ne3A_388 = arith.cmpi ne, %rem3A_386, %ne3A_387 : i32
      %lt3A_389 = arith.constant 0 : i32
      %lt3A_390 = arith.cmpi slt, %rem3A_386, %lt3A_389 : i32
      %lt3A_391 = arith.constant 0 : i32
      %lt3A_392 = arith.cmpi slt, %select_n3A_385, %lt3A_391 : i32
      %ne3A_393 = arith.xori %lt3A_390, %lt3A_392 : i1
      %and3A_394 = arith.andi %ne3A_393, %ne3A_388 : i1
      %add3A_395 = arith.addi %rem3A_386, %select_n3A_385 : i32
      %select_n3A_396 = arith.select %and3A_394, %add3A_395, %rem3A_386 : i32
      %eq3A_397 = arith.constant 0 : i32
      %eq3A_398 = arith.cmpi eq, %select_n3A_396, %eq3A_397 : i32
      %convert_element_type3A_399 = arith.extui %eq3A_398 : i1 to i32
      %cond3A_400 = arith.constant 0 : i32
      %cond3A_401 = arith.cmpi ne, %convert_element_type3A_399, %cond3A_400 : i32
      scf.if %cond3A_401 {
        %dma_wait3A_423 = arith.constant 0 : i32
        %dma_wait3A_424 = tpu.memref_slice %arg11[%while3A_380, %dma_wait3A_423] : memref<25x128xi32, #tpu.memory_space<vmem>> -> memref<1x128xi32, #tpu.memory_space<vmem>>
        %dma_wait3A_425 = tpu.memref_squeeze %dma_wait3A_424 : memref<1x128xi32, #tpu.memory_space<vmem>> -> memref<128xi32, #tpu.memory_space<vmem>>
        %dma_wait3A_426 = arith.constant 0 : i32
        %dma_wait3A_427 = arith.constant 0 : i32
        %dma_wait3A_428 = tpu.memref_slice %arg3[%dma_wait3A_426, %dma_wait3A_427] : memref<16384x128xf32, #tpu.memory_space<hbm>> -> memref<16384x128xf32, #tpu.memory_space<hbm>>
        tpu.wait_indirect_dma semaphore(%arg14 : memref<!tpu.dma_semaphore, #tpu.memory_space<semaphore_mem>>) src(%dma_wait3A_428 : memref<16384x128xf32, #tpu.memory_space<hbm>>) dst(%arg7 : memref<128x128xf32, #tpu.memory_space<vmem>>)
        %add3A_429 = arith.constant 1 : i32
        %add3A_430 = arith.addi %while3A_380, %add3A_429 : i32
        %lt3A_431 = arith.cmpi slt, %add3A_430, %select_n3A_362 : i32
        %convert_element_type3A_432 = arith.extui %lt3A_431 : i1 to i32
        %cond3A_433 = arith.constant 0 : i32
        %cond3A_434 = arith.cmpi ne, %convert_element_type3A_432, %cond3A_433 : i32
        scf.if %cond3A_434 {
          %add3A_447 = arith.constant 1 : i32
          %add3A_448 = arith.addi %while3A_380, %add3A_447 : i32
          %dma_start3A_449 = arith.constant 0 : i32
          %dma_start3A_450 = tpu.memref_slice %arg11[%add3A_448, %dma_start3A_449] : memref<25x128xi32, #tpu.memory_space<vmem>> -> memref<1x128xi32, #tpu.memory_space<vmem>>
          %dma_start3A_451 = tpu.memref_squeeze %dma_start3A_450 : memref<1x128xi32, #tpu.memory_space<vmem>> -> memref<128xi32, #tpu.memory_space<vmem>>
          %dma_start3A_452 = arith.constant 0 : i32
          %dma_start3A_453 = arith.constant 0 : i32
          %dma_start3A_454 = tpu.memref_slice %arg3[%dma_start3A_452, %dma_start3A_453] : memref<16384x128xf32, #tpu.memory_space<hbm>> -> memref<16384x128xf32, #tpu.memory_space<hbm>>
          tpu.enqueue_indirect_dma source(%dma_start3A_454 : memref<16384x128xf32, #tpu.memory_space<hbm>>) target(%arg8 : memref<128x128xf32, #tpu.memory_space<vmem>>) offsets(%dma_start3A_451 : memref<128xi32, #tpu.memory_space<vmem>>) semaphore(%arg14 : memref<!tpu.dma_semaphore, #tpu.memory_space<semaphore_mem>>)
        } else {
        }
        %dma_start3A_435 = arith.constant 0 : i32
        %dma_start3A_436 = tpu.memref_slice %arg12[%while3A_380, %dma_start3A_435] : memref<25x128xi32, #tpu.memory_space<vmem>> -> memref<1x128xi32, #tpu.memory_space<vmem>>
        %dma_start3A_437 = tpu.memref_squeeze %dma_start3A_436 : memref<1x128xi32, #tpu.memory_space<vmem>> -> memref<128xi32, #tpu.memory_space<vmem>>
        %dma_start3A_438 = arith.constant 0 : i32
        %dma_start3A_439 = arith.constant 0 : i32
        %dma_start3A_440 = tpu.memref_slice %arg4[%dma_start3A_438, %dma_start3A_439] : memref<100000x128xf32, #tpu.memory_space<hbm>> -> memref<100000x128xf32, #tpu.memory_space<hbm>>
        tpu.enqueue_indirect_dma source(%arg7 : memref<128x128xf32, #tpu.memory_space<vmem>>) target(%dma_start3A_440 : memref<100000x128xf32, #tpu.memory_space<hbm>>) offsets(%dma_start3A_437 : memref<128xi32, #tpu.memory_space<vmem>>) semaphore(%arg15 : memref<!tpu.dma_semaphore, #tpu.memory_space<semaphore_mem>>)
        %dma_wait3A_441 = arith.constant 0 : i32
        %dma_wait3A_442 = tpu.memref_slice %arg12[%while3A_380, %dma_wait3A_441] : memref<25x128xi32, #tpu.memory_space<vmem>> -> memref<1x128xi32, #tpu.memory_space<vmem>>
        %dma_wait3A_443 = tpu.memref_squeeze %dma_wait3A_442 : memref<1x128xi32, #tpu.memory_space<vmem>> -> memref<128xi32, #tpu.memory_space<vmem>>
        %dma_wait3A_444 = arith.constant 0 : i32
        %dma_wait3A_445 = arith.constant 0 : i32
        %dma_wait3A_446 = tpu.memref_slice %arg4[%dma_wait3A_444, %dma_wait3A_445] : memref<100000x128xf32, #tpu.memory_space<hbm>> -> memref<100000x128xf32, #tpu.memory_space<hbm>>
        tpu.wait_indirect_dma semaphore(%arg15 : memref<!tpu.dma_semaphore, #tpu.memory_space<semaphore_mem>>) src(%arg7 : memref<128x128xf32, #tpu.memory_space<vmem>>) dst(%dma_wait3A_446 : memref<100000x128xf32, #tpu.memory_space<hbm>>)
      } else {
      }
      %jit3A_402 = arith.constant 2 : i32
      %eq3A_403 = arith.constant 0 : i32
      %eq3A_404 = arith.cmpi eq, %jit3A_402, %eq3A_403 : i32
      %jit3A_405 = arith.constant 1 : i32
      %select_n3A_406 = arith.select %eq3A_404, %jit3A_405, %jit3A_402 : i32
      %rem3A_407 = arith.remsi %while3A_380, %select_n3A_406 : i32
      %ne3A_408 = arith.constant 0 : i32
      %ne3A_409 = arith.cmpi ne, %rem3A_407, %ne3A_408 : i32
      %lt3A_410 = arith.constant 0 : i32
      %lt3A_411 = arith.cmpi slt, %rem3A_407, %lt3A_410 : i32
      %lt3A_412 = arith.constant 0 : i32
      %lt3A_413 = arith.cmpi slt, %select_n3A_406, %lt3A_412 : i32
      %ne3A_414 = arith.xori %lt3A_411, %lt3A_413 : i1
      %and3A_415 = arith.andi %ne3A_414, %ne3A_409 : i1
      %add3A_416 = arith.addi %rem3A_407, %select_n3A_406 : i32
      %select_n3A_417 = arith.select %and3A_415, %add3A_416, %rem3A_407 : i32
      %eq3A_418 = arith.constant 1 : i32
      %eq3A_419 = arith.cmpi eq, %select_n3A_417, %eq3A_418 : i32
      %convert_element_type3A_420 = arith.extui %eq3A_419 : i1 to i32
      %cond3A_421 = arith.constant 0 : i32
      %cond3A_422 = arith.cmpi ne, %convert_element_type3A_420, %cond3A_421 : i32
      scf.if %cond3A_422 {
        %dma_wait3A_423 = arith.constant 0 : i32
        %dma_wait3A_424 = tpu.memref_slice %arg11[%while3A_380, %dma_wait3A_423] : memref<25x128xi32, #tpu.memory_space<vmem>> -> memref<1x128xi32, #tpu.memory_space<vmem>>
        %dma_wait3A_425 = tpu.memref_squeeze %dma_wait3A_424 : memref<1x128xi32, #tpu.memory_space<vmem>> -> memref<128xi32, #tpu.memory_space<vmem>>
        %dma_wait3A_426 = arith.constant 0 : i32
        %dma_wait3A_427 = arith.constant 0 : i32
        %dma_wait3A_428 = tpu.memref_slice %arg3[%dma_wait3A_426, %dma_wait3A_427] : memref<16384x128xf32, #tpu.memory_space<hbm>> -> memref<16384x128xf32, #tpu.memory_space<hbm>>
        tpu.wait_indirect_dma semaphore(%arg14 : memref<!tpu.dma_semaphore, #tpu.memory_space<semaphore_mem>>) src(%dma_wait3A_428 : memref<16384x128xf32, #tpu.memory_space<hbm>>) dst(%arg8 : memref<128x128xf32, #tpu.memory_space<vmem>>)
        %add3A_429 = arith.constant 1 : i32
        %add3A_430 = arith.addi %while3A_380, %add3A_429 : i32
        %lt3A_431 = arith.cmpi slt, %add3A_430, %select_n3A_362 : i32
        %convert_element_type3A_432 = arith.extui %lt3A_431 : i1 to i32
        %cond3A_433 = arith.constant 0 : i32
        %cond3A_434 = arith.cmpi ne, %convert_element_type3A_432, %cond3A_433 : i32
        scf.if %cond3A_434 {
          %add3A_447 = arith.constant 1 : i32
          %add3A_448 = arith.addi %while3A_380, %add3A_447 : i32
          %dma_start3A_449 = arith.constant 0 : i32
          %dma_start3A_450 = tpu.memref_slice %arg11[%add3A_448, %dma_start3A_449] : memref<25x128xi32, #tpu.memory_space<vmem>> -> memref<1x128xi32, #tpu.memory_space<vmem>>
          %dma_start3A_451 = tpu.memref_squeeze %dma_start3A_450 : memref<1x128xi32, #tpu.memory_space<vmem>> -> memref<128xi32, #tpu.memory_space<vmem>>
          %dma_start3A_452 = arith.constant 0 : i32
          %dma_start3A_453 = arith.constant 0 : i32
          %dma_start3A_454 = tpu.memref_slice %arg3[%dma_start3A_452, %dma_start3A_453] : memref<16384x128xf32, #tpu.memory_space<hbm>> -> memref<16384x128xf32, #tpu.memory_space<hbm>>
          tpu.enqueue_indirect_dma source(%dma_start3A_454 : memref<16384x128xf32, #tpu.memory_space<hbm>>) target(%arg7 : memref<128x128xf32, #tpu.memory_space<vmem>>) offsets(%dma_start3A_451 : memref<128xi32, #tpu.memory_space<vmem>>) semaphore(%arg14 : memref<!tpu.dma_semaphore, #tpu.memory_space<semaphore_mem>>)
        } else {
        }
        %dma_start3A_435 = arith.constant 0 : i32
        %dma_start3A_436 = tpu.memref_slice %arg12[%while3A_380, %dma_start3A_435] : memref<25x128xi32, #tpu.memory_space<vmem>> -> memref<1x128xi32, #tpu.memory_space<vmem>>
        %dma_start3A_437 = tpu.memref_squeeze %dma_start3A_436 : memref<1x128xi32, #tpu.memory_space<vmem>> -> memref<128xi32, #tpu.memory_space<vmem>>
        %dma_start3A_438 = arith.constant 0 : i32
        %dma_start3A_439 = arith.constant 0 : i32
        %dma_start3A_440 = tpu.memref_slice %arg4[%dma_start3A_438, %dma_start3A_439] : memref<100000x128xf32, #tpu.memory_space<hbm>> -> memref<100000x128xf32, #tpu.memory_space<hbm>>
        tpu.enqueue_indirect_dma source(%arg8 : memref<128x128xf32, #tpu.memory_space<vmem>>) target(%dma_start3A_440 : memref<100000x128xf32, #tpu.memory_space<hbm>>) offsets(%dma_start3A_437 : memref<128xi32, #tpu.memory_space<vmem>>) semaphore(%arg15 : memref<!tpu.dma_semaphore, #tpu.memory_space<semaphore_mem>>)
        %dma_wait3A_441 = arith.constant 0 : i32
        %dma_wait3A_442 = tpu.memref_slice %arg12[%while3A_380, %dma_wait3A_441] : memref<25x128xi32, #tpu.memory_space<vmem>> -> memref<1x128xi32, #tpu.memory_space<vmem>>
        %dma_wait3A_443 = tpu.memref_squeeze %dma_wait3A_442 : memref<1x128xi32, #tpu.memory_space<vmem>> -> memref<128xi32, #tpu.memory_space<vmem>>
        %dma_wait3A_444 = arith.constant 0 : i32
        %dma_wait3A_445 = arith.constant 0 : i32
        %dma_wait3A_446 = tpu.memref_slice %arg4[%dma_wait3A_444, %dma_wait3A_445] : memref<100000x128xf32, #tpu.memory_space<hbm>> -> memref<100000x128xf32, #tpu.memory_space<hbm>>
        tpu.wait_indirect_dma semaphore(%arg15 : memref<!tpu.dma_semaphore, #tpu.memory_space<semaphore_mem>>) src(%arg8 : memref<128x128xf32, #tpu.memory_space<vmem>>) dst(%dma_wait3A_446 : memref<100000x128xf32, #tpu.memory_space<hbm>>)
      } else {
      }
    }
    return
  }
}

module attributes {stable_mosaic.version = 14 : i64} {
  func.func @_tc_body(%arg0: i32, %arg1: memref<1024x64xf32, #tpu.memory_space<vmem>>, %arg2: memref<64x128xf32, #tpu.memory_space<vmem>>, %arg3: memref<64x128xf32, #tpu.memory_space<vmem>>, %arg4: memref<1x128xf32, #tpu.memory_space<vmem>>, %arg5: memref<1x128xf32, #tpu.memory_space<vmem>>, %arg6: memref<1x128xf32, #tpu.memory_space<vmem>>, %arg7: memref<1x128xf32, #tpu.memory_space<vmem>>, %arg8: memref<1024x128xf32, #tpu.memory_space<vmem>>, %arg9: memref<1024x1xf32, #tpu.memory_space<vmem>>) attributes {dimension_semantics = [#tpu.dimension_semantics<arbitrary>], iteration_bounds = array<i64: 16>, scalar_prefetch = 0 : i64, scratch_operands = 0 : i64, tpu.core_type = #tpu.core_type<tc>, window_params = [{transform_indices = @transform_0, window_bounds = array<i64: 1024, 64>}, {pipeline_mode = #tpu.pipeline_mode<synchronous>, transform_indices = @transform_1, window_bounds = array<i64: 64, 128>}, {pipeline_mode = #tpu.pipeline_mode<synchronous>, transform_indices = @transform_2, window_bounds = array<i64: 64, 128>}, {pipeline_mode = #tpu.pipeline_mode<synchronous>, transform_indices = @transform_3, window_bounds = array<i64: 1, 128>}, {pipeline_mode = #tpu.pipeline_mode<synchronous>, transform_indices = @transform_4, window_bounds = array<i64: 1, 128>}, {pipeline_mode = #tpu.pipeline_mode<synchronous>, transform_indices = @transform_5, window_bounds = array<i64: 1, 128>}, {pipeline_mode = #tpu.pipeline_mode<synchronous>, transform_indices = @transform_6, window_bounds = array<i64: 1, 128>}, {transform_indices = @transform_7, window_bounds = array<i64: 1024, 128>}, {transform_indices = @transform_8, window_bounds = array<i64: 1024, 1>}]} {
    %get3A = arith.constant 0 : index
    %get3A_0 = arith.constant 0 : index
    %get3A_1 = vector.load %arg1[%get3A, %get3A_0] : memref<1024x64xf32, #tpu.memory_space<vmem>>, vector<1024x64xf32>
    %get3A_2 = arith.constant 0 : index
    %get3A_3 = arith.constant 0 : index
    %get3A_4 = vector.load %arg2[%get3A_2, %get3A_3] : memref<64x128xf32, #tpu.memory_space<vmem>>, vector<64x128xf32>
    %dot_general3A = arith.constant dense<0.000000e+00> : vector<1024x128xf32>
    %dot_general3A_5 = tpu.matmul %get3A_1, %get3A_4, %dot_general3A {dimension_numbers = #tpu.dot_dimension_numbers<[1], [0], [0], [1], [0, 0, 1, 1], [], []>, transpose_lhs_hint = false} : vector<1024x64xf32>, vector<64x128xf32>, vector<1024x128xf32> -> vector<1024x128xf32>
    %get3A_6 = arith.constant 0 : index
    %get3A_7 = arith.constant 0 : index
    %get3A_8 = vector.load %arg4[%get3A_6, %get3A_7] : memref<1x128xf32, #tpu.memory_space<vmem>>, vector<1x128xf32>
    %add3A = vector.broadcast %get3A_8 : vector<1x128xf32> to vector<1024x128xf32>
    %add3A_9 = arith.addf %dot_general3A_5, %add3A : vector<1024x128xf32>
    %get3A_10 = arith.constant 0 : index
    %get3A_11 = arith.constant 0 : index
    %get3A_12 = vector.load %arg3[%get3A_10, %get3A_11] : memref<64x128xf32, #tpu.memory_space<vmem>>, vector<64x128xf32>
    %dot_general3A_13 = arith.constant dense<0.000000e+00> : vector<1024x128xf32>
    %dot_general3A_14 = tpu.matmul %get3A_1, %get3A_12, %dot_general3A_13 {dimension_numbers = #tpu.dot_dimension_numbers<[1], [0], [0], [1], [0, 0, 1, 1], [], []>, transpose_lhs_hint = false} : vector<1024x64xf32>, vector<64x128xf32>, vector<1024x128xf32> -> vector<1024x128xf32>
    %get3A_15 = arith.constant 0 : index
    %get3A_16 = arith.constant 0 : index
    %get3A_17 = vector.load %arg5[%get3A_15, %get3A_16] : memref<1x128xf32, #tpu.memory_space<vmem>>, vector<1x128xf32>
    %add3A_18 = vector.broadcast %get3A_17 : vector<1x128xf32> to vector<1024x128xf32>
    %add3A_19 = arith.addf %dot_general3A_14, %add3A_18 : vector<1024x128xf32>
    %logistic3A = arith.negf %add3A_9 : vector<1024x128xf32>
    %logistic3A_20 = math.exp %logistic3A : vector<1024x128xf32>
    %logistic3A_21 = arith.constant 1.000000e+00 : f32
    %logistic3A_22 = vector.broadcast %logistic3A_21 : f32 to vector<1024x128xf32>
    %logistic3A_23 = arith.addf %logistic3A_22, %logistic3A_20 : vector<1024x128xf32>
    %logistic3A_24 = arith.divf %logistic3A_22, %logistic3A_23 : vector<1024x128xf32>
    %sub3A = arith.constant 1.000000e+00 : f32
    %sub3A_25 = vector.broadcast %sub3A : f32 to vector<1024x128xf32>
    %sub3A_26 = arith.subf %sub3A_25, %logistic3A_24 : vector<1024x128xf32>
    %tanh3A = math.tanh %add3A_19 : vector<1024x128xf32>
    %mul3A = arith.mulf %sub3A_26, %tanh3A : vector<1024x128xf32>
    %swap3A = arith.constant 0 : index
    %swap3A_27 = arith.constant 0 : index
    %swap3A_28 = vector.load %arg8[%swap3A, %swap3A_27] : memref<1024x128xf32, #tpu.memory_space<vmem>>, vector<1024x128xf32>
    tpu.vector_store %arg8[%swap3A, %swap3A_27], %mul3A {strides = array<i32>} : memref<1024x128xf32, #tpu.memory_space<vmem>>, vector<1024x128xf32>,
    %get3A_29 = arith.constant 0 : index
    %get3A_30 = arith.constant 0 : index
    %get3A_31 = vector.load %arg6[%get3A_29, %get3A_30] : memref<1x128xf32, #tpu.memory_space<vmem>>, vector<1x128xf32>
    %mul3A_32 = vector.broadcast %get3A_31 : vector<1x128xf32> to vector<1024x128xf32>
    %mul3A_33 = arith.mulf %mul3A, %mul3A_32 : vector<1024x128xf32>
    %reduce_sum3A = arith.constant dense<0.000000e+00> : vector<1024xf32>
    %reduce_sum3A_34 = vector.multi_reduction <add>, %mul3A_33, %reduce_sum3A [1] : vector<1024x128xf32> to vector<1024xf32>
    %broadcast_in_dim3A = vector.shape_cast %reduce_sum3A_34 : vector<1024xf32> to vector<1024x1xf32>
    %get3A_35 = arith.constant 0 : index
    %get3A_36 = arith.constant 0 : index
    %get3A_37 = vector.load %arg7[%get3A_35, %get3A_36] : memref<1x128xf32, #tpu.memory_space<vmem>>, vector<1x1xf32>
    %add3A_38 = vector.broadcast %get3A_37 : vector<1x1xf32> to vector<1024x1xf32>
    %add3A_39 = arith.addf %broadcast_in_dim3A, %add3A_38 : vector<1024x1xf32>
    %logistic3A_40 = arith.negf %add3A_39 : vector<1024x1xf32>
    %logistic3A_41 = math.exp %logistic3A_40 : vector<1024x1xf32>
    %logistic3A_42 = arith.constant 1.000000e+00 : f32
    %logistic3A_43 = vector.broadcast %logistic3A_42 : f32 to vector<1024x1xf32>
    %logistic3A_44 = arith.addf %logistic3A_43, %logistic3A_41 : vector<1024x1xf32>
    %logistic3A_45 = arith.divf %logistic3A_43, %logistic3A_44 : vector<1024x1xf32>
    %swap3A_46 = arith.constant 0 : index
    %swap3A_47 = arith.constant 0 : index
    %swap3A_48 = vector.load %arg9[%swap3A_46, %swap3A_47] : memref<1024x1xf32, #tpu.memory_space<vmem>>, vector<1024x1xf32>
    tpu.vector_store %arg9[%swap3A_46, %swap3A_47], %logistic3A_45 {strides = array<i32>} : memref<1024x1xf32, #tpu.memory_space<vmem>>, vector<1024x1xf32>,
    return
  }
  func.func @transform_0(%arg0: i32) -> (i32, i32) {
    %c0_i32 = arith.constant 0 : i32
    %c0_i32_0 = arith.constant 0 : i32
    return %arg0, %c0_i32 : i32, i32
  }
  func.func @transform_1(%arg0: i32) -> (i32, i32) {
    %c0_i32 = arith.constant 0 : i32
    %c0_i32_0 = arith.constant 0 : i32
    %c0_i32_1 = arith.constant 0 : i32
    return %c0_i32, %c0_i32_0 : i32, i32
  }
  func.func @transform_2(%arg0: i32) -> (i32, i32) {
    %c0_i32 = arith.constant 0 : i32
    %c0_i32_0 = arith.constant 0 : i32
    %c0_i32_1 = arith.constant 0 : i32
    return %c0_i32, %c0_i32_0 : i32, i32
  }
  func.func @transform_3(%arg0: i32) -> (i32, i32) {
    %c0_i32 = arith.constant 0 : i32
    %c0_i32_0 = arith.constant 0 : i32
    %c0_i32_1 = arith.constant 0 : i32
    return %c0_i32, %c0_i32_0 : i32, i32
  }
  func.func @transform_4(%arg0: i32) -> (i32, i32) {
    %c0_i32 = arith.constant 0 : i32
    %c0_i32_0 = arith.constant 0 : i32
    %c0_i32_1 = arith.constant 0 : i32
    return %c0_i32, %c0_i32_0 : i32, i32
  }
  func.func @transform_5(%arg0: i32) -> (i32, i32) {
    %c0_i32 = arith.constant 0 : i32
    %c0_i32_0 = arith.constant 0 : i32
    %c0_i32_1 = arith.constant 0 : i32
    return %c0_i32, %c0_i32_0 : i32, i32
  }
  func.func @transform_6(%arg0: i32) -> (i32, i32) {
    %c0_i32 = arith.constant 0 : i32
    %c0_i32_0 = arith.constant 0 : i32
    %c0_i32_1 = arith.constant 0 : i32
    return %c0_i32, %c0_i32_0 : i32, i32
  }
  func.func @transform_7(%arg0: i32) -> (i32, i32) {
    %c0_i32 = arith.constant 0 : i32
    %c0_i32_0 = arith.constant 0 : i32
    return %arg0, %c0_i32 : i32, i32
  }
  func.func @transform_8(%arg0: i32) -> (i32, i32) {
    %c0_i32 = arith.constant 0 : i32
    %c0_i32_0 = arith.constant 0 : i32
    return %arg0, %c0_i32 : i32, i32
  }
}

</mosaic_0001>

<sc_bundles>
// kernel: kernel.4.cloned.1.call-start
scs
__scs_entry_jumppad:
0x0: {  	(pc) =	sbr.rel $0x88, $3  }
0x1: {  	(tag) =	ssettag $0x0;
	lr =	simm.s32 $0x1  }
0x2: {  	[smem:$0x3F9B] =	sst lr;
	_ =	strace $0xD0000000  }
0x3: {  	_ = 	snop  }
0x4: {  	_ = 	snop  }
0x5: {  	_ = 	snop  }
0x6: {  	_ = 	snop  }
0x7: {  	_ = 	snop  }
__scs_overlays_trampoline_lowered:
0x8: {  	[smem:$0x3FAA] =	sst s0  }
0x9: {  	[smem:$0x3FAB] =	sst s1  }
0xa: {  	[smem:$0x3FAC] =	sst s2  }
0xb: {  	[smem:$0x3FAD] =	sst s3  }
0xc: {  	[smem:$0x3FAE] =	sst s4  }
0xd: {  	[smem:$0x3FAF] =	sst s5  }
0xe: {  	[smem:$0x3FB0] =	sst s6  }
0xf: {  	[smem:$0x3FB1] =	sst s7  }
0x10: {  	[smem:$0x3FB2] =	sst s8  }
0x11: {  	[smem:$0x3FB3] =	sst s9;
	s0 =	simm.s32 @!p0 $0x0  }
0x12: {  	s1 =	sld [smem:$0x3F99];
	s0 =	simm.s32 @p0 $0x1  }
0x13: {  	[smem:$0x3FB4] =	sst s0;
	s0 =	simm.s32 @!p1 $0x0  }
0x14: {  	s2 =	sld [smem:$0x3F98];
	s0 =	simm.s32 @p1 $0x1  }
0x15: {  	[smem:$0x3FB5] =	sst s0;
	s0 =	simm.s32 @!p2 $0x0  }
0x16: {  	s3 =	sld [smem:$0x3FDB];
	s0 =	simm.s32 @p2 $0x1  }
0x17: {  	s4 =	simm.s32 $0x1BF5;
	[smem:$0x3FB7] =	sst s0  }
0x18: {  	s0 =	sld [smem:$0x3F9A];
	_ =	swait.ge [sflag:s4], $0x0  }
0x19: {  	s7 =	sld [smem:$0x3F9B]  }
0x1a: {  	s8 =	sadd.s32 $0xFFFFE003, lr  }
0x1b: {  	s9 =	sadd.s32 $0xFFFFFEF7, lr;
	s5 =	simm.s32 $0xFFFFFFFF;
	p2 =	slt.u32 s8, $0xFFFFF086  }
0x1c: {  	p1 =	slt.u32 s9, $0xF7A;
	s5 =	simm.s32 @!p2 $0x0  }
0x1d: {  	s5 =	simm.s32 @p1 $0x1;
	p0 =	seq.s32 s7, s2  }
0x1e: {  	s7 =	smul.u32 @!p0 $0xF7A, s2;
	p2 =	seq.s32 @!p0 s5, $0x0  }
0x1f: {  	s9 =	smul.u32 $0xF7A, s1;
	s8 =	simm.s32 @!p0 $0x1BF5;
	p2 =	por !p2, p0  }
0x20: {  	[sflag:s8] =	ssyncset.s32 @!p0 $0xFFFFF086;
	s6 =	sadd.s32 @!p0 s3, s7;
	s7 =	simm.s32 @!p0 $0x108  }
0x21: {  	s3 =	sadd.s32 s3, s9;
	s6 =	sadd.s32 @!p0 $0x88, s6;
	s7 =	simm.s32 @p2 $0x1082  }
0x22: {  	[simem:s7], [sflag:s8] =	dma.local @!p0 [hbm:s6], $0xF7A  }
0x23: {  	s9 =	sor.u32 $0xD0000000, s2;
	s6 =	simm.s32 $0x108;
	_ =	swait.ge @!p0 [sflag:s8], $0x0  }
0x24: {  	s3 =	sadd.s32 $0x88, s3;
	s6 =	simm.s32 @!p1 $0x1082;
	[sflag:s4] =	ssyncset.s32 $0xFFFFF086  }
0x25: {  	[simem:s6], [sflag:s4] =	dma.local [hbm:s3], $0xF7A  }
0x26: {  	[smem:$0x3F9B] =	sst s1;
	(tag) =	ssettag s2;
	_ =	strace s9  }
0x27: {  	s1 =	sld [smem:$0x3FAB]  }
0x28: {  	s2 =	sld [smem:$0x3FAC]  }
0x29: {  	s4 =	sld [smem:$0x3FAE]  }
0x2a: {  	p0 =	seq.s32 s5, $0x0;
	s5 =	sld [smem:$0x3FAF]  }
0x2b: {  	s6 =	sld [smem:$0x3FB0]  }
0x2c: {  	s7 =	sld [smem:$0x3FB1]  }
0x2d: {  	s3 =	simm.s32 $0x108;
	s8 =	sld [smem:$0x3FB2]  }
0x2e: {  	s3 =	simm.s32 @!p0 $0x1082;
	s9 =	sld [smem:$0x3FB3]  }
0x2f: {  	lr =	sadd.s32 s0, s3;
	s0 =	sld [smem:$0x3FAA]  }
0x30: {  	s3 =	sld [smem:$0x3FAD]  }
0x31: {  	[smem:$0x3FB6] =	sst s10  }
0x32: {  	s10 =	sld [smem:$0x3FB4];
	_ =	sdelay $0x3  }
0x33: {  	p0 =	seq.s32 s10, $0x1;
	s10 =	sld [smem:$0x3FB6];
	_ =	sdelay $0x3  }
0x34: {  	[smem:$0x3FB6] =	sst s10  }
0x35: {  	s10 =	sld [smem:$0x3FB5];
	_ =	sdelay $0x3  }
0x36: {  	p1 =	seq.s32 s10, $0x1;
	s10 =	sld [smem:$0x3FB6];
	_ =	sdelay $0x3  }
0x37: {  	[smem:$0x3FB6] =	sst s10  }
0x38: {  	s10 =	sld [smem:$0x3FB7]  }
0x39: {  	_ = 	snop;
	(pc) =	sbr.ind lr, $3  }
0x3a: {  	_ = 	snop  }
0x3b: {  	_ = 	snop  }
0x3c: {  	p2 =	seq.s32 s10, $0x1;
	s10 =	sld [smem:$0x3FB6]  }
0x3d: {  	_ =	shalt  }
0x3e: {  	_ =	shalt  }
0x3f: {  	_ =	shalt  }
0x40: {  	_ =	shalt  }
0x41: {  	_ =	shalt  }
0x42: {  	_ =	shalt  }
0x43: {  	_ =	shalt  }
0x44: {  	_ =	shalt  }
0x45: {  	_ =	shalt  }
0x46: {  	_ =	shalt  }
0x47: {  	_ =	shalt  }
0x48: {  	_ =	shalt  }
0x49: {  	_ =	shalt  }
0x4a: {  	_ =	shalt  }
0x4b: {  	_ =	shalt  }
0x4c: {  	_ =	shalt  }
0x4d: {  	_ =	shalt  }
0x4e: {  	_ =	shalt  }
0x4f: {  	_ =	shalt  }
0x50: {  	_ =	shalt  }
0x51: {  	_ =	shalt  }
0x52: {  	_ =	shalt  }
0x53: {  	_ =	shalt  }
0x54: {  	_ =	shalt  }
0x55: {  	_ =	shalt  }
0x56: {  	_ =	shalt  }
0x57: {  	_ =	shalt  }
0x58: {  	_ =	shalt  }
0x59: {  	_ =	shalt  }
0x5a: {  	_ =	shalt  }
0x5b: {  	_ =	shalt  }
0x5c: {  	_ =	shalt  }
0x5d: {  	_ =	shalt  }
0x5e: {  	_ =	shalt  }
0x5f: {  	_ =	shalt  }
0x60: {  	_ =	shalt  }
0x61: {  	_ =	shalt  }
0x62: {  	_ =	shalt  }
0x63: {  	_ =	shalt  }
0x64: {  	_ =	shalt  }
0x65: {  	_ =	shalt  }
0x66: {  	_ =	shalt  }
0x67: {  	_ =	shalt  }
0x68: {  	_ =	shalt  }
0x69: {  	_ =	shalt  }
0x6a: {  	_ =	shalt  }
0x6b: {  	_ =	shalt  }
0x6c: {  	_ =	shalt  }
0x6d: {  	_ =	shalt  }
0x6e: {  	_ =	shalt  }
0x6f: {  	_ =	shalt  }
0x70: {  	_ =	shalt  }
0x71: {  	_ =	shalt  }
0x72: {  	_ =	shalt  }
0x73: {  	_ =	shalt  }
0x74: {  	_ =	shalt  }
0x75: {  	_ =	shalt  }
0x76: {  	_ =	shalt  }
0x77: {  	_ =	shalt  }
0x78: {  	_ =	shalt  }
0x79: {  	_ =	shalt  }
0x7a: {  	_ =	shalt  }
0x7b: {  	_ =	shalt  }
0x7c: {  	_ =	shalt  }
0x7d: {  	_ =	shalt  }
0x7e: {  	_ =	shalt  }
0x7f: {  	_ =	shalt  }
0x80: {  	_ =	shalt  }
0x81: {  	_ =	shalt  }
0x82: {  	_ =	shalt  }
0x83: {  	_ =	shalt  }
0x84: {  	_ =	shalt  }
0x85: {  	_ =	shalt  }
0x86: {  	_ =	shalt  }
0x87: {  	_ =	shalt  }
.Lfunc_end0:
.L_simem_size_0:
called_computation_lowered:
.L_overlay_start_0:
0x88: {  	s2 =	sld [smem:$0x3FD9]  }
0x89: {  	s3 =	sld [smem:$0x3FFE];
	_ =	sdelay $0x1  }
0x8a: {  	s1 =	srdreg.scid  }
0x8b: {  	s0 =	sand.u32 $0x1, s1  }
0x8c: {  	s14 =	sshll.u32 s0, $0xA;
	s2 =	sadd.s32 s3, s2  }
0x8d: {  	s2 =	sadd.s32 s2, s14  }
0x8e: {  	[smem:$0x3FC2] =	sst s2  }
0x8f: {  	_ = 	snop  }
0x90: {  	s2 =	sld [smem:$0x3FD0];
	_ =	sdelay $0x2  }
0x91: {  	s4 =	simm.s32 $0xA;
	s5 =	simm.s32 $0x10;
	s15 =	sld [smem:$0x3FC9]  }
0x92: {  	[smem:s5], [sflag:s4] =	dma.local [hbm:s2], $0x1  }
0x93: {  	_ =	swait.eq [sflag:s4], $0x1  }
0x94: {  	[sflag:s4] =	ssyncset.done $0x0  }
0x95: {  	[sflag:s4] =	ssyncadd.s32 $0xFFFFFFFF  }
0x96: {  	s16 =	sld [smem:$0x11];
	(tm) =	ssettm $0x1  }
0x97: {  	s17 =	sld [smem:$0x3FFB];
	_ =	sdelay $0x3  }
0x98: {  	_ =	strace s17  }
0x99: {  	s4 =	sld [smem:$0x3FFC];
	_ =	sdelay $0x3  }
0x9a: {  	_ =	strace s4  }
0x9b: {  	s4 =	sld [smem:$0x3FFD];
	_ =	sdelay $0x3  }
0x9c: {  	_ =	strace s4  }
0x9d: {  	_ =	strace $0x8FFFFFFF  }
0x9e: {  	s18 =	sld [smem:$0x3FDB];
	_ =	sdelay $0x1  }
0x9f: {  	s19 =	simm.s32 $_scs_section_size  }
0xa0: {  	s6 =	simm.s32 $_size__tile_overlayer_lowered;
	s7 =	simm.s32 $_tile_overlayer_lowered  }
0xa1: {  	s22 =	simm.s32 $0x1BFF;
	s21 =	sshll.u32 s7, $0x1;
	s4 =	sadd.s32 s19, s18  }
0xa2: {  	s8 =	simm.s32 $0x0;
	s20 =	sshll.u32 s6, $0x1;
	s6 =	sadd.s32 s21, s4  }
0xa3: {  	[timem:s8], [sflag:s22] =	dma.local [hbm:s6], s20  }
0xa4: {  	_ =	swait.ge [sflag:s22], s20  }
0xa5: {  	s5 =	ssub.s32 $0x0, s20;
	[sflag:s22] =	ssyncset.done $0x0  }
0xa6: {  	[sflag:s22] =	ssyncadd.s32 s5;
	_ =	sdelay $0x1  }
0xa7: {  	s23 =	simm.s32 $0x1B8B  }
0xa8: {  	_ =	swait.ge [sflag:s23], $0x1  }
0xa9: {  	[sflag:s23] =	ssyncset.done $0x0  }
0xaa: {  	s25 =	simm.s32 $0x1B8E;
	s24 =	sld [smem:$0x3FFE];
	[sflag:s23] =	ssyncadd.s32 $0xFFFFFFFF  }
0xab: {  	s26 =	simm.s32 $execute0_lowered;
	[smem:$0x3FD2] =	sst s25  }
0xac: {  	s6 =	sshll.u32 s26, $0x1;
	_ =	strace $0x80000046;
	[dreg:$0x1] =	wrdreg $0xFFFFFFFF  }
0xad: {  	s28 =	simm.s32 $_size_execute0_lowered;
	s4 =	sadd.s32 s4, s6;
	[dreg:$0x0] =	wrdreg $0x0  }
0xae: {  	s6 =	sshll.u32 s28, $0x1;
	[dreg:$0x2] =	wrdreg s4  }
0xaf: {  	[dreg:$0x3] =	wrdreg s6  }
0xb0: {  	[dreg:$0x4] =	wrdreg $0xC0  }
0xb1: {  	_ =	task [dreg:s8], $0x5FFFF  }
0xb2: {  	[dreg:$0x1] =	wrdreg $0xFFFFFFFF  }
0xb3: {  	[dreg:$0x0] =	wrdreg $0x60  }
0xb4: {  	[dreg:$0x2] =	wrdreg s15  }
0xb5: {  	[dreg:$0x3] =	wrdreg s24  }
0xb6: {  	[dreg:$0x4] =	wrdreg s16  }
0xb7: {  	[dreg:$0x5] =	wrdreg $0x9  }
0xb8: {  	_ =	task.clear_ibuf [dreg:s8], $0x6FFFF;
	_ =	strace $0x90000046  }
0xb9: {  	s29 =	simm.s32 $0x9;
	_ =	strace $0x80000048  }
0xba: {  	_ =	swait.ge [sflag:s29], $0x1  }
0xbb: {  	[sflag:s29] =	ssyncadd.s32 $0xFFFFFFFF  }
0xbc: {  	_ =	strace $0x90000048  }
0xbd: {  	_ =	sfence  }
0xbe: {  	s30 =	sld [smem:$0x0];
	_ =	sdelay $0x2  }
0xbf: {  	s31 =	sshll.u32 s1, $0xD;
	s1 =	sshrl.u32 s1, $0x2  }
0xc0: {  	s3 =	sand.u32 $0x4000, s31;
	s1 =	sadd.s32 s1, s30  }
0xc1: {  	s0 =	sor.u32 s3, s0;
	s1 =	sshll.u32 s1, $0x11  }
0xc2: {  	s0 =	sor.u32 s1, s0  }
0xc3: {  	s0 =	sadd.s32 $0x8F2B, s0  }
0xc4: {  	[sflag:s0] =	ssyncadd.remote.s32 $0x1  }
0xc5: {  	_ =	sfence.sel $0xFFFF  }
0xc6: {  	[dreg:$0x0] =	wrdreg $0xFFFFFFFF;
	(pc) =	sbr.abs _section_cstart, $3  }
0xc7: {  	[dreg:$0x1] =	wrdreg $0xFFFFFFFF  }
0xc8: {  	_ =	task.clear_ibuf [dreg:s8], $0x2FFFF;
	_ =	strace $0x9FFFFFFF  }
0xc9: {  	(tm) =	ssettm $0x7FFFFFFF  }
tec
execute0_lowered:
.L_overlay_start_1:
0x0: {  	(tag) =	ssettag $0x1  }
0x1: {  	s0 =	rddreg [dreg:$0x0]  }
0x2: {  	s2 =	rddreg [dreg:$0x1]  }
0x3: {  	s1 =	rddreg [dreg:$0x2];
	s3 =	simm.s32 $0x0;
	s4 =	srdreg.scid  }
0x4: {  	s11 =	stileid.u32;
	s18 =	simm.s32 $0x2;
	s19 =	simm.s32 $0x5000  }
0x5: {  	s20 =	simm.s32 $0x4000;
	s28 =	simm.s32 $0x3;
	s29 =	simm.s32 $0x0  }
0x6: {  	[smem:$0x7FF] =	sst s3;
	s7 =	sand.u32 $0x1, s4;
	s16 =	smul.u32 $0xC8000, s11  }
0x7: {  	s6 =	sshll.u32 s11, $0x1;
	s15 =	smul.u32 $0x1900, s11;
	s14 =	sadd.s32 $0x186800, s1  }
0x8: {  	s4 =	sadd.s32 $0xE00, s2;
	_ =	strace $0x80000047;
	s17 =	smul.u32 $0xC80, s7  }
0x9: {  	s5 =	ssub.s32 $0x2, s7;
	s8 =	sor.u32 s7, s6;
	s30 =	smul.u32 $0x64000, s7  }
0xa: {  	s22 =	sshrl.u32 s5, $0x1;
	s21 =	smul.u32 $0xC80, s8;
	s9 =	sshll.u32 s8, $0xC  }
0xb: {  	p0 =	seq.s32 s8, $0x1F;
	s2 =	ssub.s32 s5, s22;
	s5 =	sand.u32 $0x3000, s9  }
0xc: {  	s23 =	sadd.s32 $0x1000, s9;
	s22 =	simm.s32 $0x320;
	s25 =	sadd.s32 $0x3000, s9  }
0xd: {  	s31 =	sadd.s32 s17, s15;
	s16 =	sadd.s32 s30, s16;
	s10 =	sshrl.u32 s5, $0x3  }
0xe: {  	s6 =	sand.u32 $0x3000, s23;
	s22 =	simm.s32 @!p0 $0xC80;
	s9 =	sxor.u32 $0x2000, s5  }
0xf: {  	s15 =	smax.u32 s2, $0x1;
	s17 =	sor.u32 $0x10, s31;
	p0 =	sne.s32 s8, $0x1F  }
.Ltmp0:
0x10: {  	s10 =	sadd.s32 s0, s10;
	s24 =	sshrl.u32 s6, $0x3;
	(pc) =	sbr.rel .LBB2_1-.Ltmp0, $4  }
0x11: {  	s23 =	simm.s32 $0x1;
	[dreg:$0x4] =	wrdreg s10;
	s10 =	sadd.s32 s0, s24  }
0x12: {  	s26 =	sshrl.u32 s9, $0x3;
	[dreg:$0x5] =	wrdreg s10;
	s10 =	sand.u32 $0x3000, s25  }
0x13: {  	v2 =	vimm.f32 $0.0e+00;
	v3 =	vimm.s32 $0xFFFFFFFF;
	v4 =	vlaneseq.u32;
	s13 =	sshrl.u32 s22, $0x7;
	s11 =	sadd.s32 s0, s26;
	s12 =	sshrl.u32 s10, $0x3  }
0x14: {  	v5 =	vimm.s32 $0x0;
	v1 =	vmov s21;
	v0 =	vmov s22;
	s24 =	simm.s32 $0x80;
	s26 =	simm.s32 $0x9000;
	s12 =	sadd.s32 s0, s12  }
.LBB2_31:
0x15: {  	s29 =	sadd.s32 $0x1, s29  }
0x16: {  	p1 =	sne.s32 s29, s15  }
.Ltmp1:
0x17: {  	_ = 	snop;
	(pc) =	sbr.rel @!p1 .LBB2_32-.Ltmp1, $1  }
0x18: {  	_ =	sdelay $0x3  }
.LBB2_1:
0x19: {  	s0 =	simm.s32 $0x5040  }
0x1a: {  	[tilespmem:s0+$0xFFFFFFC0] =	vst v2  }
0x1b: {  	[tilespmem:s0+$0x30] =	vst v2  }
0x1c: {  	[tilespmem:s0+$0x20] =	vst v2  }
0x1d: {  	[tilespmem:s0+$0x10] =	vst v2  }
0x1e: {  	[tilespmem:s0+$0x0] =	vst v2  }
0x1f: {  	[tilespmem:s0+$0xFFFFFFF0] =	vst v2  }
0x20: {  	s2 =	simm.s32 $0x0;
	[tilespmem:s0+$0xFFFFFFE0] =	vst v2  }
.LBB2_2:
0x21: {  	s2 =	sadd.s32 $0x8, s2;
	[tilespmem:s0+$0xFFFFFFD0] =	vst v2;
	s0 =	sadd.s32 $0x80, s0  }
0x22: {  	[tilespmem:s0+$0xFFFFFFC0] =	vst v2;
	p1 =	slt.u32 s2, $0x3F8  }
0x23: {  	[tilespmem:s0+$0x30] =	vst v2  }
.Ltmp2:
0x24: {  	[tilespmem:s0+$0x20] =	vst v2;
	(pc) =	sbr.rel @p1 .LBB2_2-.Ltmp2, $4  }
0x25: {  	[tilespmem:s0+$0x10] =	vst v2  }
0x26: {  	[tilespmem:s0+$0x0] =	vst v2  }
0x27: {  	[tilespmem:s0+$0xFFFFFFF0] =	vst v2  }
0x28: {  	[tilespmem:s0+$0xFFFFFFE0] =	vst v2  }
0x29: {  	[tilespmem:s0+$0xFFFFFFD0] =	vst v2;
	s30 =	rddreg [dreg:$0x4]  }
0x2a: {  	[tilespmem:s5], [sflag:$0x2] =	stream.linear.gather [hbm4b:s30+s3], $0x1000, $0x38;
	[tilespmem:$0x10A00] =	vst v63  }
0x2b: {  	s31 =	rddreg [dreg:$0x5]  }
0x2c: {  	[tilespmem:s6], [sflag:$0x2] =	stream.linear.gather [hbm4b:s31+s3], $0x1000, $0x38;
	[tilespmem:$0x10A00] =	vst v63  }
0x2d: {  	_ = 	snop  }
0x2e: {  	[tilespmem:s9], [sflag:$0x2] =	stream.linear.gather [hbm4b:s11+s3], $0x1000, $0x38;
	[tilespmem:$0x10A00] =	vst v63  }
0x2f: {  	_ = 	snop  }
0x30: {  	[tilespmem:s10], [sflag:$0x2] =	stream.linear.gather [hbm4b:s12+s3], $0x1000, $0x38;
	[tilespmem:$0x10A00] =	vst v63  }
0x31: {  	_ =	swait.ge [sflag:s18], $0x1000  }
0x32: {  	[sflag:s18] =	ssyncset.done $0x0  }
0x33: {  	[sflag:s18] =	ssyncadd.s32 $0xFFFFF000  }
0x34: {  	_ =	swait.ge [sflag:s18], $0x1000  }
0x35: {  	[sflag:s18] =	ssyncset.done $0x0  }
0x36: {  	[sflag:s18] =	ssyncadd.s32 $0xFFFFF000  }
0x37: {  	p1 =	sne.s32 s13, $0x1;
	_ =	swait.ge [sflag:s18], $0x1000  }
.Ltmp3:
0x38: {  	[sflag:s18] =	ssyncset.done $0x0;
	(pc) =	sbr.rel @!p1 .LBB2_5-.Ltmp3, $4  }
0x39: {  	[sflag:s18] =	ssyncadd.s32 $0xFFFFF000  }
0x3a: {  	_ =	swait.ge [sflag:s18], $0x1000  }
0x3b: {  	s2 =	sshrl.u32 s16, $0x3;
	s0 =	sadd.s32 $0xFFFFFFFF, s13;
	[sflag:s18] =	ssyncset.done $0x0  }
0x3c: {  	s7 =	sadd.s32 s1, s2;
	s2 =	sadd.s32 $0x4000, s16;
	[sflag:s18] =	ssyncadd.s32 $0xFFFFF000  }
.LBB2_4:
0x3d: {  	[hbm4b:s7+s3] =	stream.linear.scatter [tilespmem:s19], [sflag:$0x1], $0x4000, $0x38;
	[tilespmem:$0x10A00] =	vst v63  }
0x3e: {  	p2 =	sne.s32 s0, $0x1  }
.Ltmp4:
0x3f: {  	s0 =	sadd.s32 $0xFFFFFFFF, s0;
	(pc) =	sbr.rel @p2 .LBB2_4-.Ltmp4, $3  }
0x40: {  	_ =	sdelay $0x1  }
0x41: {  	s7 =	sshrl.u32 s2, $0x3  }
0x42: {  	s2 =	sadd.s32 $0x4000, s2;
	s7 =	sadd.s32 s1, s7  }
.LBB2_5:
0x43: {  	[hbm4b:s7+s3] =	stream.linear.scatter [tilespmem:s19], [sflag:$0x1], $0x4000, $0x38;
	[tilespmem:$0x10A00] =	vst v63  }
0x44: {  	s0 =	simm.s32 @!p0 $0x0;
	s2 =	simm.s32 @!p0 $0x5000  }
0x45: {  	[hbm4b:s14+s0] =	stream.linear.scatter @!p0 [tilespmem:s2], [sflag:$0x1], $0x1000, $0x38;
	[tilespmem:$0x10A00] =	vst v63  }
0x46: {  	s0 =	simm.s32 $0x4020  }
0x47: {  	[tilespmem:s0+$0xFFFFFFE0] =	vst v3  }
0x48: {  	[tilespmem:s0+$0x10] =	vst v3  }
0x49: {  	s30 =	simm.s32 $0x70;
	s31 =	simm.s32 $0x40;
	s2 =	simm.s32 $0x0;
	[tilespmem:s0+$0x0] =	vst v3  }
.LBB2_6:
0x4a: {  	s2 =	sadd.s32 $0x4, s2  }
0x4b: {  	[tilespmem:s0+$0xFFFFFFF0] =	vst v3;
	s0 =	sadd.s32 $0x40, s0;
	p2 =	slt.u32 s2, $0xFC  }
.Ltmp5:
0x4c: {  	[tilespmem:s0+$0xFFFFFFE0] =	vst v3;
	(pc) =	sbr.rel @p2 .LBB2_6-.Ltmp5, $3  }
0x4d: {  	_ =	sdelay $0x1  }
0x4e: {  	[tilespmem:s0+$0x10] =	vst v3  }
0x4f: {  	[tilespmem:s0+$0x0] =	vst v3  }
0x50: {  	[tilespmem:s0+$0xFFFFFFF0] =	vst v3;
	v6 =	vimm.s32 $0x0;
	s0 =	simm.s32 $0xFFFFFFF8  }
.LBB2_8:
0x51: {  	v7 =	vld [tilespmem:s31+$0xFFFFFFC0];
	_ =	sdelay $0x4  }
0x52: {  	v8 =	vsub.s32 v7, v1  }
0x53: {  	v7 =	vand.u32 $0x7F, v7;
	vm0 =	vlt.u32 v8, v0;
	v8 =	vand.u32 $0xF80, v8  }
0x54: {  	v7 =	vor.u32 v7, v8;
	_ =	sdelay $0x2  }
0x55: {  	s2 =	sadd.s32 $0xFFFFFF90, s30  }
0x56: {  	v8 =	vor.u32 s2, v4  }
0x57: {  	[tilespmem:v7+s20+$0x0] =	vst.idx.msk vm0, v8  }
0x58: {  	v9 =	vld [tilespmem:s31+$0xFFFFFFD0];
	_ =	sdelay $0x4  }
0x59: {  	v10 =	vsub.s32 v9, v1  }
0x5a: {  	v9 =	vand.u32 $0x7F, v9;
	vm1 =	vlt.u32 v10, v0;
	v10 =	vand.u32 $0xF80, v10  }
0x5b: {  	v9 =	vor.u32 v9, v10;
	_ =	sdelay $0x2  }
0x5c: {  	s25 =	sadd.s32 $0xFFFFFFA0, s30  }
0x5d: {  	v52 =	vor.u32 s25, v4  }
0x5e: {  	v7 =	vld.idx.msk [tilespmem:v7+s20+$0x0], $0xffff;
	[tilespmem:v9+s20+$0x0] =	vst.idx.msk vm1, v52  }
0x5f: {  	v11 =	vld [tilespmem:s31+$0xFFFFFFE0];
	_ =	sdelay $0x4  }
0x60: {  	v12 =	vsub.s32 v11, v1  }
0x61: {  	v11 =	vand.u32 $0x7F, v11;
	vm2 =	vlt.u32 v12, v0;
	v12 =	vand.u32 $0xF80, v12  }
0x62: {  	v11 =	vor.u32 v11, v12;
	_ =	sdelay $0x2  }
0x63: {  	s7 =	sadd.s32 $0xFFFFFFB0, s30  }
0x64: {  	v53 =	vor.u32 s7, v4  }
0x65: {  	v9 =	vld.idx.msk [tilespmem:v9+s20+$0x0], $0xffff;
	[tilespmem:v11+s20+$0x0] =	vst.idx.msk vm2, v53  }
0x66: {  	v13 =	vld [tilespmem:s31+$0xFFFFFFF0];
	_ =	sdelay $0x4  }
0x67: {  	v14 =	vsub.s32 v13, v1  }
0x68: {  	v13 =	vand.u32 $0x7F, v13;
	vm3 =	vlt.u32 v14, v0;
	v14 =	vand.u32 $0xF80, v14  }
0x69: {  	v13 =	vor.u32 v13, v14;
	_ =	sdelay $0x2  }
0x6a: {  	s8 =	sadd.s32 $0xFFFFFFC0, s30  }
0x6b: {  	v54 =	vor.u32 s8, v4  }
0x6c: {  	v11 =	vld.idx.msk [tilespmem:v11+s20+$0x0], $0xffff;
	[tilespmem:v13+s20+$0x0] =	vst.idx.msk vm3, v54  }
0x6d: {  	v15 =	vld [tilespmem:s31+$0x0];
	_ =	sdelay $0x4  }
0x6e: {  	v16 =	vsub.s32 v15, v1  }
0x6f: {  	v15 =	vand.u32 $0x7F, v15;
	vm4 =	vlt.u32 v16, v0;
	v16 =	vand.u32 $0xF80, v16  }
0x70: {  	v15 =	vor.u32 v15, v16;
	_ =	sdelay $0x2  }
0x71: {  	s21 =	sadd.s32 $0xFFFFFFD0, s30  }
0x72: {  	v55 =	vor.u32 s21, v4  }
0x73: {  	v13 =	vld.idx.msk [tilespmem:v13+s20+$0x0], $0xffff;
	[tilespmem:v15+s20+$0x0] =	vst.idx.msk vm4, v55  }
0x74: {  	v17 =	vld [tilespmem:s31+$0x10];
	_ =	sdelay $0x4  }
0x75: {  	v18 =	vsub.s32 v17, v1  }
0x76: {  	v17 =	vand.u32 $0x7F, v17;
	vm5 =	vlt.u32 v18, v0;
	v18 =	vand.u32 $0xF80, v18  }
0x77: {  	v17 =	vor.u32 v17, v18;
	_ =	sdelay $0x2  }
0x78: {  	s22 =	sadd.s32 $0xFFFFFFE0, s30  }
0x79: {  	v56 =	vor.u32 s22, v4  }
0x7a: {  	v15 =	vld.idx.msk [tilespmem:v15+s20+$0x0], $0xffff;
	[tilespmem:v17+s20+$0x0] =	vst.idx.msk vm5, v56  }
0x7b: {  	v19 =	vld [tilespmem:s31+$0x20];
	_ =	sdelay $0x4  }
0x7c: {  	v20 =	vsub.s32 v19, v1  }
0x7d: {  	v19 =	vand.u32 $0x7F, v19;
	vm6 =	vlt.u32 v20, v0;
	v20 =	vand.u32 $0xF80, v20  }
0x7e: {  	v19 =	vor.u32 v19, v20;
	_ =	sdelay $0x2  }
0x7f: {  	s25 =	sadd.s32 $0xFFFFFFF0, s30  }
0x80: {  	v57 =	vor.u32 s25, v4  }
0x81: {  	v17 =	vld.idx.msk [tilespmem:v17+s20+$0x0], $0xffff;
	[tilespmem:v19+s20+$0x0] =	vst.idx.msk vm6, v57  }
0x82: {  	v21 =	vld [tilespmem:s31+$0x30];
	_ =	sdelay $0x4  }
0x83: {  	v22 =	vsub.s32 v21, v1  }
0x84: {  	v21 =	vand.u32 $0x7F, v21;
	vm7 =	vlt.u32 v22, v0;
	v22 =	vand.u32 $0xF80, v22  }
0x85: {  	v21 =	vor.u32 v21, v22  }
0x86: {  	vm8 =	vlt.s32 v7, v8  }
0x87: {  	vm0 =	vmand vm0, vm8  }
0x88: {  	v58 =	vsel vm0, $0x1, v5;
	vm14 =	vlt.s32 v9, v52  }
0x89: {  	v8 =	vor.u32 s30, v4;
	v6 =	vadd.s32 v58, v6;
	vm1 =	vmand vm1, vm14  }
0x8a: {  	v59 =	vsel vm1, $0x1, v5;
	vm15 =	vlt.s32 v11, v53;
	v7 =	vld.idx.msk [tilespmem:v19+s20+$0x0], $0xffff;
	[tilespmem:v21+s20+$0x0] =	vst.idx.msk vm7, v8  }
0x8b: {  	v6 =	vadd.s32 v59, v6;
	vm9 =	vmand vm2, vm15;
	vm10 =	vlt.s32 v13, v54;
	v61 =	vld.idx.msk [tilespmem:v21+s20+$0x0], $0xffff  }
0x8c: {  	v60 =	vsel vm9, $0x1, v5;
	vm1 =	vmand vm3, vm10;
	vm11 =	vlt.s32 v15, v55  }
0x8d: {  	s0 =	sadd.s32 $0x8, s0;
	v6 =	vadd.s32 v60, v6;
	v62 =	vsel vm1, $0x1, v5;
	vm0 =	vmand vm4, vm11  }
0x8e: {  	p2 =	slt.u32 s0, $0x3F8;
	v6 =	vadd.s32 v62, v6;
	v63 =	vsel vm0, $0x1, v5;
	vm12 =	vlt.s32 v17, v56  }
.Ltmp6:
0x8f: {  	v6 =	vadd.s32 v63, v6;
	vm1 =	vmand vm5, vm12;
	vm13 =	vlt.s32 v7, v57;
	(pc) =	sbr.rel @p2 .LBB2_8-.Ltmp6, $4  }
0x90: {  	v7 =	vsel vm1, $0x1, v5;
	vm0 =	vmand vm6, vm13;
	vm14 =	vlt.s32 v61, v8  }
0x91: {  	v6 =	vadd.s32 v7, v6;
	v8 =	vsel vm0, $0x1, v5;
	vm15 =	vmand vm7, vm14  }
0x92: {  	v6 =	vadd.s32 v8, v6;
	v7 =	vsel vm15, $0x1, v5  }
0x93: {  	s30 =	sadd.s32 $0x80, s30;
	s31 =	sadd.s32 $0x80, s31;
	v6 =	vadd.s32 v7, v6  }
0x94: {  	(xrf0) =	vadd.scan.msk.s32 $0xffff, v6;
	_ =	sdelay $0x5  }
0x95: {  	v6, _, _ =	vpop (xrf0)  }
0x96: {  	(v2sf) =	vpush v6, $0xF;
	_ =	sdelay $0xe  }
0x97: {  	s0 =	spop (v2sf)  }
0x98: {  	p2 =	slt.s32 s0, $0x1  }
.Ltmp7:
0x99: {  	_ = 	snop;
	(pc) =	sbr.rel @p2 .LBB2_12-.Ltmp7, $1  }
0x9a: {  	_ =	sdelay $0x3  }
0x9b: {  	s0 =	simm.s32 $0x0;
	v6 =	vimm.s32 $0x0  }
.LBB2_11:
0x9c: {  	s2 =	sshll.u32 s0, $0x4  }
0x9d: {  	v7 =	vld [tilespmem:s2+$0x0];
	_ =	sdelay $0x4  }
0x9e: {  	v8 =	vsub.s32 v7, v1  }
0x9f: {  	v7 =	vand.u32 $0x7F, v7;
	v9 =	vand.u32 $0xF80, v8  }
0xa0: {  	v7 =	vor.u32 v7, v9;
	_ =	sdelay $0x4  }
0xa1: {  	v9 =	vld.idx.msk [tilespmem:v7+s20+$0x0], $0xffff;
	_ =	sdelay $0x3  }
0xa2: {  	v10 =	vor.u32 s2, v4  }
0xa3: {  	vm0 =	vlt.u32 v8, v0;
	vm1 =	vlt.s32 v9, v10  }
0xa4: {  	vm0 =	vmand vm0, vm1;
	_ =	sdelay $0x5  }
0xa5: {  	s2 =	sor.u32 $0x10, s2;
	[tilespmem:v7+s20+$0x0] =	vst.idx.msk vm0, v10  }
0xa6: {  	v7 =	vld [tilespmem:s2+$0x0];
	_ =	sdelay $0x4  }
0xa7: {  	v8 =	vsub.s32 v7, v1  }
0xa8: {  	v7 =	vand.u32 $0x7F, v7;
	v62 =	vand.u32 $0xF80, v8  }
0xa9: {  	v7 =	vor.u32 v7, v62;
	_ =	sdelay $0x4  }
0xaa: {  	v9 =	vld.idx.msk [tilespmem:v7+s20+$0x0], $0xffff;
	_ =	sdelay $0x3  }
0xab: {  	v63 =	vor.u32 s2, v4  }
0xac: {  	vm15 =	vlt.u32 v8, v0;
	vm2 =	vlt.s32 v9, v63  }
0xad: {  	v8 =	vsel vm0, $0x1, v5;
	vm1 =	vmand vm15, vm2  }
0xae: {  	v6 =	vadd.s32 v8, v6;
	v8 =	vsel vm1, $0x1, v5  }
0xaf: {  	p2 =	slt.u32 s0, $0x3FE;
	v6 =	vadd.s32 v8, v6  }
0xb0: {  	(xrf0) =	vadd.scan.msk.s32 @!p2 $0xffff, v6;
	_ =	sdelay $0x5  }
0xb1: {  	v8, _, _ =	vpop @!p2 (xrf0)  }
0xb2: {  	(v2sf) =	vpush @!p2 v8, $0xF;
	_ =	sdelay $0xe  }
0xb3: {  	s2 =	spop @!p2 (v2sf)  }
0xb4: {  	p3 =	sgt.s32 @!p2 s2, $0x0  }
0xb5: {  	p3 =	por p2, p3  }
.Ltmp8:
0xb6: {  	_ = 	snop;
	(pc) =	sbr.rel @p3 .LBB2_11-.Ltmp8, $3  }
0xb7: {  	_ =	sdelay $0x1  }
0xb8: {  	s0 =	sadd.s32 $0x2, s0  }
0xb9: {  	s0 =	simm.s32 @!p2 $0x0;
	v6 =	vpsel !p2, $0x0, v6;
	[tilespmem:v7+s20+$0x0] =	vst.idx.msk vm1, v63  }
.LBB2_12:
0xba: {  	s0 =	simm.s32 $0x4010  }
0xbb: {  	v6 =	vld [tilespmem:s0+$0xFFFFFFF0];
	_ =	sdelay $0x4  }
0xbc: {  	s2 =	simm.s32 $0x0;
	s7 =	sadd.s32 $0xFFFFFFF0, s17;
	vm0 =	vgt.s32 v6, $0xFFFFFFFF  }
0xbd: {  	v7 =	vor.u32 s7, v4;
	[tilespmem:s2+$0xD000] =	vst.msk vm0, v6  }
0xbe: {  	[tilespmem:s2+$0xDD00] =	vst.msk vm0, v7;
	v7 =	vmpcnt.ones.xlane vm0;
	_ =	sdelay $0x1  }
0xbf: {  	v6 =	vld [tilespmem:s0+$0x0];
	(v2sf) =	vpush v7, $0x0;
	_ =	sdelay $0x4  }
0xc0: {  	vm15 =	vgt.s32 v6, $0xFFFFFFFF  }
0xc1: {  	v7 =	vmpcnt.ones.xlane vm15;
	_ =	sdelay $0x1  }
0xc2: {  	(v2sf) =	vpush v7, $0x0;
	_ =	sdelay $0x6  }
0xc3: {  	s31 =	spop (v2sf)  }
0xc4: {  	s21 =	sadd.s32 $0x0, s31  }
0xc5: {  	v7 =	vor.u32 s17, v4;
	[tilespmem:s21+$0xD000] =	vst.msk vm15, v6  }
0xc6: {  	s30 =	simm.s32 $0x4030;
	[tilespmem:s21+$0xDD00] =	vst.msk vm15, v7  }
0xc7: {  	v6 =	vld [tilespmem:s30+$0xFFFFFFF0];
	_ =	sdelay $0x3  }
0xc8: {  	s2 =	simm.s32 $0x2;
	s0 =	sadd.s32 $0x20, s17;
	s7 =	spop (v2sf)  }
.LBB2_13:
0xc9: {  	s2 =	sadd.s32 $0x2, s2;
	vm0 =	vgt.s32 v6, $0xFFFFFFFF;
	s8 =	sadd.s32 $0xFFFFFFF0, s0;
	s7 =	sadd.s32 s21, s7  }
0xca: {  	p2 =	slt.u32 s2, $0xFE;
	v7 =	vor.u32 s8, v4;
	[tilespmem:s7+$0xD000] =	vst.msk vm0, v6;
	v6 =	vmpcnt.ones.xlane vm0  }
0xcb: {  	[tilespmem:s7+$0xDD00] =	vst.msk vm0, v7  }
0xcc: {  	v7 =	vld [tilespmem:s30+$0x0];
	(v2sf) =	vpush v6, $0x0;
	_ =	sdelay $0x4  }
0xcd: {  	vm0 =	vgt.s32 v7, $0xFFFFFFFF  }
0xce: {  	v6 =	vmpcnt.ones.xlane vm0;
	_ =	sdelay $0x1  }
0xcf: {  	(v2sf) =	vpush v6, $0x0;
	_ =	sdelay $0x6  }
0xd0: {  	s8 =	spop (v2sf)  }
0xd1: {  	s21 =	sadd.s32 s7, s8  }
0xd2: {  	v6 =	vor.u32 s0, v4;
	[tilespmem:s21+$0xD000] =	vst.msk vm0, v7  }
0xd3: {  	s30 =	sadd.s32 $0x20, s30;
	[tilespmem:s21+$0xDD00] =	vst.msk vm0, v6  }
.Ltmp9:
0xd4: {  	v6 =	vld [tilespmem:s30+$0xFFFFFFF0];
	(pc) =	sbr.rel @p2 .LBB2_13-.Ltmp9, $2  }
0xd5: {  	_ =	sdelay $0x2  }
0xd6: {  	s0 =	sadd.s32 $0x20, s0;
	s7 =	spop (v2sf)  }
0xd7: {  	vm0 =	vgt.s32 v6, $0xFFFFFFFF;
	s2 =	sadd.s32 $0xFFFFFFF0, s0;
	s7 =	sadd.s32 s21, s7  }
0xd8: {  	v7 =	vor.u32 s2, v4;
	[tilespmem:s7+$0xD000] =	vst.msk vm0, v6  }
0xd9: {  	[tilespmem:s7+$0xDD00] =	vst.msk vm0, v7  }
0xda: {  	v6 =	vld [tilespmem:s30+$0x0];
	_ =	sdelay $0x4  }
0xdb: {  	v7 =	vmpcnt.ones.xlane vm0;
	vm15 =	vgt.s32 v6, $0xFFFFFFFF  }
0xdc: {  	v8 =	vmpcnt.ones.xlane vm15  }
0xdd: {  	(v2sf) =	vpush v7, $0x0  }
0xde: {  	(v2sf) =	vpush v8, $0x0;
	_ =	sdelay $0xd  }
0xdf: {  	s21 =	spop (v2sf)  }
0xe0: {  	s8 =	sadd.s32 s7, s21;
	s22 =	spop (v2sf)  }
0xe1: {  	s2 =	sadd.s32 s8, s22  }
0xe2: {  	s7 =	sadd.s32 $0x7F, s2  }
0xe3: {  	s21 =	simm.s32 $0x1;
	p6 =	slt.s32 s2, $0x1;
	s25 =	sand.u32 $0x7F, s7  }
0xe4: {  	s22 =	sshra.s32 s7, $0x1F;
	p2 =	slt.s32 s7, $0x1;
	p3 =	sne.s32 s25, $0x0  }
0xe5: {  	s22 =	sshrl.u32 s22, $0x19;
	s25 =	sand.u32 $0xF, s2;
	p2 =	por !p2, !p3  }
0xe6: {  	s7 =	sadd.s32 s22, s7;
	p5 =	sne.s32 s25, $0x0;
	p2 =	por !p2, !p2  }
0xe7: {  	s25 =	sshra.s32 s2, $0x1F;
	s7 =	sshrl.u32 s7, $0x7;
	s21 =	simm.s32 @!p2 $0x0  }
0xe8: {  	s22 =	sshrl.u32 s25, $0x1C;
	p2 =	por !p6, !p5;
	s7 =	ssub.s32 s7, s21  }
0xe9: {  	s21 =	sadd.s32 s22, s2;
	p2 =	por !p2, !p2;
	s22 =	simm.s32 $0x1  }
0xea: {  	s30 =	sshll.u32 s7, $0x7;
	s25 =	sshra.s32 s21, $0x4;
	s22 =	simm.s32 @!p2 $0x0  }
0xeb: {  	s7 =	ssub.s32 s25, s22;
	s31 =	sshra.s32 s30, $0x4  }
0xec: {  	p2 =	sge.s32 s7, s31  }
.Ltmp10:
0xed: {  	_ = 	snop;
	(pc) =	sbr.rel @p2 .LBB2_18-.Ltmp10, $3  }
0xee: {  	_ =	sdelay $0x1  }
0xef: {  	v7 =	vor.u32 s0, v4;
	[tilespmem:s8+$0xD000] =	vst.msk vm15, v6  }
0xf0: {  	[tilespmem:s8+$0xDD00] =	vst.msk vm15, v7  }
0xf1: {  	s0 =	sshll.u32 s7, $0x6  }
0xf2: {  	s8 =	simm.s32 $0xD000;
	s0 =	sshra.s32 s0, $0x2  }
0xf3: {  	v8 =	vmov s2;
	v6 =	vld.msk [tilespmem:s8+$0x0], $0xffff;
	s2 =	sadd.s32 $0xD000, s0  }
0xf4: {  	v9 =	vld [tilespmem:s2+$0x0];
	_ =	sdelay $0x1  }
0xf5: {  	s25 =	sshll.u32 s7, $0x4  }
0xf6: {  	v10 =	vor.u32 s25, v4  }
0xf7: {  	vm0 =	vlt.s32 v10, v8  }
0xf8: {  	s22 =	simm.s32 $0xDD00;
	v9 =	vsel vm0, v9, v6  }
0xf9: {  	s21 =	sadd.s32 $0x1, s7;
	v7 =	vld.msk [tilespmem:s22+$0x0], $0xffff;
	s0 =	sadd.s32 $0xDD00, s0;
	[tilespmem:s2+$0x0] =	vst v9  }
0xfa: {  	p2 =	slt.s32 s21, s31;
	v9 =	vld [tilespmem:s0+$0x0]  }
.Ltmp11:
0xfb: {  	_ = 	snop;
	(pc) =	sbr.rel @!p2 .LBB2_17-.Ltmp11, $2  }
0xfc: {  	_ =	sdelay $0x2  }
0xfd: {  	s22 =	sadd.s32 $0x10, s25;
	v9 =	vsel vm0, v9, v7  }
.LBB2_16:
0xfe: {  	s21 =	sadd.s32 $0x1, s21;
	[tilespmem:s0+$0x0] =	vst v9;
	s2 =	sadd.s32 $0x10, s2;
	s0 =	sadd.s32 $0x10, s0  }
0xff: {  	v9 =	vld [tilespmem:s2+$0x0];
	p2 =	slt.s32 s21, s31;
	_ =	sdelay $0x2  }
0x100: {  	v10 =	vor.u32 s22, v4  }
0x101: {  	vm0 =	vlt.s32 v10, v8  }
0x102: {  	v9 =	vsel vm0, v9, v6  }
0x103: {  	[tilespmem:s2+$0x0] =	vst v9  }
0x104: {  	v9 =	vld [tilespmem:s0+$0x0]  }
.Ltmp12:
0x105: {  	(pc) =	sbr.rel @p2 .LBB2_16-.Ltmp12, $2  }
0x106: {  	_ =	sdelay $0x2  }
0x107: {  	s22 =	sadd.s32 $0x10, s22;
	v9 =	vsel vm0, v9, v7  }
.LBB2_17:
0x108: {  	[tilespmem:s0+$0x0] =	vst v9  }
.LBB2_18:
0x109: {  	p2 =	sgt.s32 s31, $0x0  }
.Ltmp13:
0x10a: {  	_ = 	snop;
	(pc) =	sbr.rel @!p2 .LBB2_25-.Ltmp13, $1  }
0x10b: {  	_ =	sdelay $0x3  }
0x10c: {  	p3 =	sne.s32 s31, $0x1  }
.Ltmp14:
0x10d: {  	_ = 	snop;
	(pc) =	sbr.rel @!p3 .LBB2_20-.Ltmp14, $3  }
0x10e: {  	_ =	sdelay $0x1  }
0x10f: {  	s2 =	simm.s32 $0xEA00;
	s0 =	simm.s32 $0xFA00;
	s7 =	simm.s32 $0xD000  }
0x110: {  	s21 =	simm.s32 $0xDD00;
	s8 =	sadd.s32 $0xFFFFFFFF, s31;
	p2 =	por $0x0, $0x0;
	v6 =	vld [tilespmem:s7+$0x0]  }
0x111: {  	_ =	sdelay $0x3  }
0x112: {  	[tilespmem:s2+$0x0] =	vst v6  }
0x113: {  	v6 =	vld [tilespmem:s21+$0x0]  }
0x114: {  	p3 =	sne.s32 s8, $0x1  }
.Ltmp15:
0x115: {  	_ = 	snop;
	(pc) =	sbr.rel @!p3 .LBB2_22-.Ltmp15, $3  }
0x116: {  	_ =	sdelay $0x1  }
0x117: {  	s7 =	simm.s32 $0xD010;
	s8 =	sadd.s32 $0xFFFFFFFF, s8;
	p2 =	por $0x1, $0x1;
	[tilespmem:s0+$0x0] =	vst v6  }
0x118: {  	s31 =	simm.s32 $0xEA00;
	s25 =	simm.s32 $0xDD00;
	s22 =	simm.s32 $0xFA00;
	v6 =	vld [tilespmem:s7+$0x0]  }
.LBB2_23:
0x119: {  	p3 =	sne.s32 s8, $0x1;
	_ =	sdelay $0x2  }
0x11a: {  	s31 =	sadd.s32 $0x10, s31  }
0x11b: {  	s25 =	sadd.s32 $0x10, s25;
	[tilespmem:s31+$0x0] =	vst v6  }
0x11c: {  	v6 =	vld [tilespmem:s25+$0x0];
	_ =	sdelay $0x1  }
.Ltmp16:
0x11d: {  	(pc) =	sbr.rel @p3 .LBB2_23-.Ltmp16, $4  }
0x11e: {  	_ = 	snop  }
0x11f: {  	s22 =	sadd.s32 $0x10, s22  }
0x120: {  	s7 =	sadd.s32 $0x10, s7;
	[tilespmem:s22+$0x0] =	vst v6  }
0x121: {  	s8 =	sadd.s32 $0xFFFFFFFF, s8;
	v6 =	vld [tilespmem:s7+$0x0]  }
.LBB2_24:
0x122: {  	_ =	sdelay $0x1  }
0x123: {  	s7 =	sadd.s32 @p2 $0x10, s31  }
0x124: {  	s2 =	smov.u32 @p2 s7;
	s7 =	sadd.s32 @p2 $0x10, s25  }
0x125: {  	s21 =	smov.u32 @p2 s7;
	[tilespmem:s2+$0x0] =	vst v6  }
0x126: {  	v6 =	vld [tilespmem:s21+$0x0];
	_ =	sdelay $0x2  }
0x127: {  	s2 =	sadd.s32 @p2 $0x10, s22  }
0x128: {  	s0 =	smov.u32 @p2 s2  }
0x129: {  	[tilespmem:s0+$0x0] =	vst v6  }
.LBB2_25:
.Ltmp17:
0x12a: {  	(pc) =	sbr.rel @!p1 .LBB2_27-.Ltmp17, $3  }
0x12b: {  	_ =	sdelay $0x1  }
0x12c: {  	_ =	swait.ge [sflag:s23], $0x4000  }
0x12d: {  	s0 =	sadd.s32 $0xFFFFFFFF, s13;
	[sflag:s23] =	ssyncset.done $0x0  }
.LBB2_26:
0x12e: {  	p1 =	sne.s32 s0, $0x1;
	s0 =	sadd.s32 $0xFFFFFFFF, s0;
	[sflag:s23] =	ssyncadd.s32 $0xFFFFC000  }
.Ltmp18:
0x12f: {  	(pc) =	sbr.rel @p1 .LBB2_26-.Ltmp18, $3  }
0x130: {  	_ =	sdelay $0x1  }
0x131: {  	_ =	swait.ge [sflag:s23], $0x4000  }
0x132: {  	[sflag:s23] =	ssyncset.done $0x0  }
.LBB2_27:
0x133: {  	[sflag:s23] =	ssyncadd.s32 $0xFFFFC000;
	s0 =	simm.s32 @!p0 $0x1  }
0x134: {  	_ =	swait.ge @!p0 [sflag:s0], $0x1000  }
0x135: {  	[sflag:s0] =	ssyncset.done @!p0 $0x0  }
0x136: {  	[sflag:s0] =	ssyncadd.s32 @!p0 $0xFFFFF000;
	s0 =	sshra.s32 s30, $0x7  }
0x137: {  	p1 =	slt.s32 s0, $0x1  }
.Ltmp19:
0x138: {  	_ = 	snop;
	(pc) =	sbr.rel @!p1 .LBB2_28-.Ltmp19, $4  }
.Ltmp20:
0x139: {  	_ = 	snop;
	(pc) =	sbr.rel @p1 .LBB2_31-.Ltmp20, $4  }
0x13a: {  	s2 =	simm.s32 $0xEA00  }
0x13b: {  	[tilespmem:s19], [sflag:$0x2] =	stream.indirect.gather [hbm4b:s4+s24], $0x80, s2, s24, $0xb8;
	[tilespmem:$0x10A00] =	vst v63  }
0x13c: {  	s2 =	simm.s32 $0x0  }
0x13d: {  	_ = 	snop  }
.LBB2_30:
0x13e: {  	p1 =	sne.s32 s21, s0  }
.Ltmp21:
0x13f: {  	_ = 	snop;
	(pc) =	sbr.rel @!p1 .LBB2_31-.Ltmp21, $2  }
0x140: {  	_ =	sdelay $0x2  }
0x141: {  	s2 =	smov.u32 s21  }
.LBB2_28:
0x142: {  	s7 =	sand.u32 $0x1, s2  }
0x143: {  	p1 =	seq.s32 s7, $0x1  }
0x144: {  	s21 =	sor.u32 @!p1 $0x1, s2  }
0x145: {  	s8 =	simm.s32 @!p1 $0x2;
	p2 =	sge.s32 @!p1 s21, s0  }
0x146: {  	_ =	swait.ge @!p1 [sflag:s8], $0x4000;
	p2 =	por p2, p1  }
0x147: {  	[sflag:s8] =	ssyncset.done @!p1 $0x0;
	s22 =	sshll.u32 @!p2 s21, $0x9  }
0x148: {  	[sflag:s8] =	ssyncadd.s32 @!p1 $0xFFFFC000;
	s8 =	sshra.s32 @!p2 s22, $0x2  }
0x149: {  	s25 =	simm.s32 @!p2 $0x9000;
	s22 =	simm.s32 @!p2 $0x80;
	s8 =	sadd.s32 @!p2 $0xEA00, s8  }
0x14a: {  	[tilespmem:s25], [sflag:$0x2] =	stream.indirect.gather @!p2 [hbm4b:s4+s22], $0x80, s8, s22, $0xb8;
	[tilespmem:$0x10A00] =	vst v63  }
0x14b: {  	s8 =	sshll.u32 @!p1 s2, $0x9  }
0x14c: {  	s22 =	simm.s32 @!p1 $0x80;
	p2 =	seq.s32 @!p1 s7, $0x0;
	s8 =	sshra.s32 @!p1 s8, $0x2  }
0x14d: {  	s25 =	simm.s32 @!p1 $0x5000;
	p2 =	por p1, !p2;
	s8 =	sadd.s32 @!p1 $0xFA00, s8  }
0x14e: {  	[hbm4b:s1+s22] =	stream.indirect.scatter @!p1 [tilespmem:s25], [sflag:$0x3], $0x80, s8, s22, $0xb8;
	[tilespmem:$0x10A00] =	vst v63  }
.Ltmp22:
0x14f: {  	_ = 	snop;
	(pc) =	sbr.rel @!p2 .LBB2_30-.Ltmp22, $4  }
0x150: {  	s8 =	simm.s32 @!p1 $0x3  }
0x151: {  	_ =	swait.ge @!p1 [sflag:s8], $0x4000  }
0x152: {  	[sflag:s8] =	ssyncset.done @!p1 $0x0  }
0x153: {  	[sflag:s8] =	ssyncadd.s32 @!p1 $0xFFFFC000  }
0x154: {  	s21 =	sadd.s32 $0x1, s2  }
0x155: {  	_ =	swait.ge [sflag:s18], $0x4000;
	p1 =	sge.s32 s21, s0  }
0x156: {  	s31 =	sshll.u32 s2, $0x9;
	[sflag:s18] =	ssyncset.done $0x0;
	s7 =	sshll.u32 @!p1 s21, $0x9  }
0x157: {  	s2 =	sshra.s32 s31, $0x2;
	[sflag:s18] =	ssyncadd.s32 $0xFFFFC000;
	s7 =	sshra.s32 @!p1 s7, $0x2  }
0x158: {  	s8 =	simm.s32 @!p1 $0x80;
	s22 =	simm.s32 @!p1 $0x5000;
	s7 =	sadd.s32 @!p1 $0xEA00, s7  }
0x159: {  	[tilespmem:s22], [sflag:$0x2] =	stream.indirect.gather @!p1 [hbm4b:s4+s8], $0x80, s7, s8, $0xb8;
	[tilespmem:$0x10A00] =	vst v63  }
.Ltmp23:
0x15a: {  	s2 =	sadd.s32 $0xFA00, s2;
	(pc) =	sbr.rel .LBB2_30-.Ltmp23, $4  }
0x15b: {  	[hbm4b:s1+s24] =	stream.indirect.scatter [tilespmem:s26], [sflag:$0x3], $0x80, s2, s24, $0xb8;
	[tilespmem:$0x10A00] =	vst v63  }
0x15c: {  	_ =	swait.ge [sflag:s28], $0x4000  }
0x15d: {  	[sflag:s28] =	ssyncset.done $0x0  }
0x15e: {  	[sflag:s28] =	ssyncadd.s32 $0xFFFFC000  }
.LBB2_20:
.Ltmp24:
0x15f: {  	(pc) =	sbr.rel .LBB2_24-.Ltmp24, $2  }
0x160: {  	_ =	sdelay $0x2  }
0x161: {  	s31 =	simm.s32 $0xEA00;
	s25 =	simm.s32 $0xDD00;
	s22 =	simm.s32 $0xFA00  }
.LBB2_22:
.Ltmp25:
0x162: {  	(pc) =	sbr.rel .LBB2_24-.Ltmp25, $2  }
0x163: {  	_ =	sdelay $0x2  }
0x164: {  	s31 =	simm.s32 $0xEA00;
	s25 =	simm.s32 $0xDD00;
	s22 =	simm.s32 $0xFA00  }
.LBB2_32:
0x165: {  	_ =	sfence.sel $0x180000  }
0x166: {  	[bflag:$0x0] =	sbarrier.arrive $0xFFFF  }
0x167: {  	_ =	strace $0x90000047  }
0x168: {  	s0 =	stileid.u32;
	[bflag:$0x2] =	sbarrier.arrive $0xFFFF  }
0x169: {  	p0 =	sne.s32 s0, $0x0;
	s0 =	rddreg [dreg:$0x3]  }
0x16a: {  	s0 =	sadd.s32 @!p0 $0x100000, s0  }
0x16b: {  	[sflag:s0] =	ssyncadd.tile.s32 @!p0 $0x1;
	_ =	shalt  }
.Lfunc_end2:
_tile_overlayer_lowered:
.L_overlay_start_2:
0x16c: {  	(tag) =	ssettag $0x2  }
0x16d: {  	s0 =	rddreg [dreg:$0x0];
	s2 =	stileid.u32  }
0x16e: {  	s1 =	rddreg [dreg:$0x1];
	p0 =	sne.s32 s2, $0x0  }
0x16f: {  	s3 =	rddreg [dreg:$0x2];
	[bflag:$0x3] =	sbarrier.arrive $0xFFFF;
	s2 =	simm.s32 @!p0 $0x1C04  }
0x170: {  	[timem:s3], [sflag:s2] =	dma.local @!p0 [hbm:s0], s1  }
0x171: {  	s0 =	simm.s32 @!p0 $0x4  }
0x172: {  	_ =	swait.ge @!p0 [sflag:s0], s1  }
0x173: {  	s1 =	ssub.s32 @!p0 $0x0, s1;
	[sflag:s0] =	ssyncset.done @!p0 $0x0  }
0x174: {  	[sflag:s0] =	ssyncadd.s32 @!p0 s1  }
0x175: {  	[bflag:$0x3] =	sbarrier.arrive $0xFFFF  }
0x176: {  	_ =	shalt  }

</sc_bundles>
